<compile_context>
chip_gen: v7x
topology: tpu7x:2x2x1
jax: 0.10.2.dev20260603
libtpu: 0.0.44.dev20260713+nightly
codegen_flags: <defaults>
</compile_context>

<pallas_src>
import dataclasses
import functools

import jax
import jax.numpy as jnp
from jax import lax
from jax.experimental import pallas as pl
from jax.experimental.pallas import tpu as pltpu
from jax.experimental.pallas import tpu_sc as plsc

NC = 2
NS = 16
NW = NC * NS
L = 16
K = 128
NBUF = 2

CH0 = 132
CH1 = 26


def _sc_compiler_params():
    cp = pltpu.CompilerParams()
    if "needs_layout_passes" in pltpu.CompilerParams.__dataclass_fields__:
        cp = dataclasses.replace(cp, needs_layout_passes=False)
    return cp


def _hist_kernel(dst4, n_pad):
    ch = dst4.shape[1]
    nrows = n_pad // 128
    nwriters = nrows // 8
    mesh = plsc.VectorSubcoreMesh(core_axis_name="c", subcore_axis_name="s")

    @functools.partial(
        pl.kernel,
        out_type=jax.ShapeDtypeStruct((NC, nrows, 128), jnp.float32),
        mesh=mesh,
        scratch_types=[
            pltpu.VMEM((ch, 1, K), jnp.int32),
            pltpu.VMEM((nrows, 128), jnp.float32),
            pltpu.VMEM((nrows,), jnp.int32),
            pltpu.VMEM_SHARED((nrows, 128), jnp.float32),
        ],
        compiler_params=_sc_compiler_params(),
    )
    def hist(dst_hbm, counts_hbm, dst_v, hist_v, rowidx_v, hist_sh):
        cid = lax.axis_index("c")
        sid = lax.axis_index("s")
        wid = cid * NS + sid

        pltpu.sync_copy(dst_hbm.at[wid], dst_v)

        zero16 = jnp.zeros((L,), jnp.float32)

        @pl.loop(0, nrows)
        def _(r):
            @pl.loop(0, 128, step=L)
            def _(cc):
                hist_v[r, pl.ds(cc, L)] = zero16

        @pl.when(sid == 0)
        def _():
            pltpu.sync_copy(hist_v, hist_sh)

        @pl.loop(0, nrows, step=L)
        def _(i):
            rowidx_v[pl.ds(i, L)] = lax.iota(jnp.int32, L) + i

        plsc.subcore_barrier()

        ones = jnp.ones((L,), jnp.float32)

        @pl.loop(0, ch)
        def _(r):
            @pl.loop(0, K, step=L)
            def _(cc):
                idx = dst_v[r, 0, pl.ds(cc, L)]
                row = lax.shift_right_logical(idx, 7)
                col = lax.bitwise_and(idx, 127)
                plsc.addupdate_scatter(hist_v, [row, col], ones)

        pltpu.sync_copy(hist_v, hist_sh.at[rowidx_v], add=True)
        plsc.subcore_barrier()

        @pl.when(sid < nwriters)
        def _():
            pltpu.sync_copy(
                hist_sh.at[pl.ds(sid * 8, 8)],
                counts_hbm.at[cid, pl.ds(sid * 8, 8)],
            )

    return hist(dst4)


def _h2_kernel(x_pad, W, counts2):
    n_pad, d = x_pad.shape
    blk = 1024

    def body(x_ref, w_ref, c_ref, o_ref):
        c = c_ref[...]
        deg = c[0] + c[1] + 1.0
        dinv = lax.rsqrt(deg)
        h = jnp.dot(
            x_ref[...],
            w_ref[...],
            preferred_element_type=jnp.float32,
            precision=lax.Precision.HIGHEST,
        )
        o_ref[...] = h * dinv[:, None]

    return pl.pallas_call(
        body,
        grid=(n_pad // blk,),
        in_specs=[
            pl.BlockSpec((blk, d), lambda i: (i, 0)),
            pl.BlockSpec((d, d), lambda i: (0, 0)),
            pl.BlockSpec((NC, blk), lambda i: (0, i)),
        ],
        out_specs=pl.BlockSpec((blk, d), lambda i: (i, 0)),
        out_shape=jax.ShapeDtypeStruct((n_pad, d), jnp.float32),
    )(x_pad, W, counts2)


def _scatter_kernel(h2, src4, dst4, n_pad):
    d = h2.shape[1]
    rps = n_pad // NS
    mesh = plsc.VectorSubcoreMesh(core_axis_name="c", subcore_axis_name="s")

    @functools.partial(
        pl.kernel,
        out_type=jax.ShapeDtypeStruct((NC, n_pad, d), jnp.float32),
        mesh=mesh,
        scratch_types=[
            pltpu.VMEM((NBUF, 1, K), jnp.int32),
            pltpu.VMEM((NBUF, 1, K), jnp.int32),
            pltpu.VMEM((NBUF, K, d), jnp.float32),
            pltpu.SemaphoreType.DMA((NBUF,)),
            pltpu.SemaphoreType.DMA((NBUF,)),
            pltpu.SemaphoreType.DMA((NBUF,)),
            pltpu.VMEM_SHARED((n_pad, d), jnp.float32),
        ],
        compiler_params=_sc_compiler_params(),
    )
    def scat(h2_hbm, src_hbm, dst_hbm, out_hbm, sidx_v, didx_v, rows_v,
             sem_si, sem_di, sem_g, acc_sh):
        cid = lax.axis_index("c")
        sid = lax.axis_index("s")

        def start_sidx(j, b):
            pltpu.async_copy(src_hbm.at[sid, j], sidx_v.at[b], sem_si.at[b])

        def start_didx(j, b):
            pltpu.async_copy(dst_hbm.at[sid, j], didx_v.at[b], sem_di.at[b])

        def wait_idx(b):
            pltpu.make_async_copy(
                src_hbm.at[sid, 0], sidx_v.at[b], sem_si.at[b]
            ).wait()
            pltpu.make_async_copy(
                dst_hbm.at[sid, 0], didx_v.at[b], sem_di.at[b]
            ).wait()

        def start_gather(b):
            pltpu.async_copy(
                h2_hbm.at[sidx_v.at[b, 0]], rows_v.at[b], sem_g.at[b]
            )

        def wait_gather(b):
            pltpu.make_async_copy(
                h2_hbm.at[sidx_v.at[b, 0]], rows_v.at[b], sem_g.at[b]
            ).wait()

        zero16 = jnp.zeros((L,), jnp.float32)

        @pl.loop(0, K)
        def _(r):
            @pl.loop(0, d, step=L)
            def _(cc):
                rows_v[0, r, pl.ds(cc, L)] = zero16

        @pl.loop(0, rps, step=K)
        def _(t):
            pltpu.sync_copy(rows_v.at[0], acc_sh.at[pl.ds(sid * rps + t, K)])

        plsc.subcore_barrier()

        def edge_loop(base, cnt):
            for b in range(NBUF):
                start_sidx(base + b, b)
                start_didx(base + b, b)

            @pl.loop(base, base + cnt, step=NBUF)
            def _(j):
                for b in range(NBUF):
                    wait_idx(b)
                    start_gather(b)
                for b in range(NBUF):
                    wait_gather(b)

                    @pl.when(j + b + NBUF < base + cnt)
                    def _():
                        start_sidx(j + b + NBUF, b)

                    pltpu.sync_copy(
                        rows_v.at[b], acc_sh.at[didx_v.at[b, 0]], add=True
                    )

                    @pl.when(j + b + NBUF < base + cnt)
                    def _():
                        start_didx(j + b + NBUF, b)

        @pl.when(cid == 0)
        def _():
            edge_loop(0, CH0)

        @pl.when(cid == 1)
        def _():
            edge_loop(CH0, CH1)

        plsc.subcore_barrier()

        pltpu.sync_copy(
            acc_sh.at[pl.ds(sid * rps, rps)],
            out_hbm.at[cid, pl.ds(sid * rps, rps)],
        )

    return scat(h2, src4, dst4)


def _post_kernel(accs, h2, counts2, b):
    n_pad, d = h2.shape
    blk = 1024
    b2 = b.reshape(1, d)

    def body(a_ref, h_ref, c_ref, b_ref, o_ref):
        a = a_ref[...]
        s = a[0] + a[1] + h_ref[...]
        c = c_ref[...]
        dinv = lax.rsqrt(c[0] + c[1] + 1.0)
        o_ref[...] = jnp.maximum(s * dinv[:, None] + b_ref[...], 0.0)

    return pl.pallas_call(
        body,
        grid=(n_pad // blk,),
        in_specs=[
            pl.BlockSpec((NC, blk, d), lambda i: (0, i, 0)),
            pl.BlockSpec((blk, d), lambda i: (i, 0)),
            pl.BlockSpec((NC, blk), lambda i: (0, i)),
            pl.BlockSpec((1, d), lambda i: (0, 0)),
        ],
        out_specs=pl.BlockSpec((blk, d), lambda i: (i, 0)),
        out_shape=jax.ShapeDtypeStruct((n_pad, d), jnp.float32),
    )(accs, h2, counts2, b2)


def kernel(x, edge_index, W, b):
    n, d = x.shape
    e = edge_index.shape[1]

    n_pad = -(-n // 2048) * 2048

    src = edge_index[0].astype(jnp.int32)
    dst = edge_index[1].astype(jnp.int32)

    e_pad_h = -(-e // (NW * K)) * (NW * K)
    ch_h = e_pad_h // (NW * K)
    dsth = jnp.concatenate(
        [dst, jnp.full((e_pad_h - e,), n_pad - 1, jnp.int32)]
    ).reshape(NW, ch_h, 1, K)

    e_pad_s = NS * (CH0 + CH1) * K
    assert e_pad_s >= e and CH0 % NBUF == 0 and CH1 % NBUF == 0
    pad = e_pad_s - e
    src4 = jnp.concatenate([src, jnp.full((pad,), n, jnp.int32)])
    dst4 = jnp.concatenate([dst, jnp.full((pad,), n_pad - 1, jnp.int32)])
    src4 = src4.reshape(NS, CH0 + CH1, 1, K)
    dst4 = dst4.reshape(NS, CH0 + CH1, 1, K)

    x_pad = jnp.zeros((n_pad, d), x.dtype).at[:n].set(x)

    counts = _hist_kernel(dsth, n_pad)
    counts2 = counts.reshape(NC, n_pad)
    h2 = _h2_kernel(x_pad, W, counts2)
    accs = _scatter_kernel(h2, src4, dst4, n_pad)
    out = _post_kernel(accs, h2, counts2, b)
    return out[:n]

# --- scband reference (transcript-rebuilt; emitter-appended) ---
"""Pipeline reference for scband-gcnencoder-layer-17171279249942 (READ-ONLY COPY).

The authoritative reference and input builder live on the scoring server;
editing this copy changes nothing except your own understanding.
"""

import jax, jax.numpy as jnp
import numpy as np

N_NODES = 10000
N_EDGES = 320000
D = 128

def setup_inputs(seed: int = 0) -> dict:
    key = jax.random.key(seed)
    k1, k2, k3, k4 = jax.random.split(key, 4)
    x = jax.random.normal(k1, (N_NODES, D), dtype=jnp.float32)
    edge_index = jax.random.randint(k2, (2, N_EDGES), 0, N_NODES, dtype=jnp.int64)
    # GCNConv linear weight [in, out] and bias [out]
    W = jax.random.normal(k3, (D, D), dtype=jnp.float32) * (1.0 / np.sqrt(D))
    b = jax.random.normal(k4, (D,), dtype=jnp.float32) * 0.01
    return {"x": x, "edge_index": edge_index, "W": W, "b": b}

def reference(x, edge_index, W, b):
    # GCNConv(hidden, hidden, cached=False, normalize=True) with add_self_loops=True,
    # followed by dropout(p=0.0) (identity in eval / p=0) and relu activation.
    N = x.shape[0]
    src = edge_index[0]
    dst = edge_index[1]
    loop = jnp.arange(N, dtype=src.dtype)
    src = jnp.concatenate([src, loop])
    dst = jnp.concatenate([dst, loop])
    ew = jnp.ones(src.shape[0], dtype=x.dtype)
    # symmetric normalization: deg over dst index
    deg = jnp.zeros((N,), dtype=x.dtype).at[dst].add(ew)
    deg_inv_sqrt = jnp.where(deg > 0, 1.0 / jnp.sqrt(deg), 0.0)
    norm = deg_inv_sqrt[src] * deg_inv_sqrt[dst]
    # linear transform
    h = x @ W
    # message passing: gather from src, scale, scatter-add to dst
    msg = h[src] * norm[:, None]
    out = jnp.zeros_like(h).at[dst].add(msg)
    out = out + b
    return jax.nn.relu(out)

if False:  # reference __main__ guard neutralized (emitter)
    inp = setup_inputs()
    y = reference(**inp)
    print(y.shape, y.dtype)

if __name__ == "__main__":
    import jax
    _d = setup_inputs()
    print(jax.jit(kernel)(*tuple(_d.values())))

</pallas_src>

<mosaic_0001>
#map = affine_map<(d0, d1) -> (0, 0, 0, 0)>
#map1 = affine_map<(d0, d1) -> (0, 0, 0)>
module attributes {stable_mosaic.version = 14 : i64} {
  func.func @hist(%arg0: i32, %arg1: i32, %arg2: memref<32x79x1x128xi32, #tpu.memory_space<hbm>>, %arg3: memref<2x80x128xf32, #tpu.memory_space<hbm>>, %arg4: memref<79x1x128xi32, #tpu.memory_space<vmem>>, %arg5: memref<80x128xf32, #tpu.memory_space<vmem>>, %arg6: memref<80xi32, #tpu.memory_space<vmem>>, %arg7: memref<80x128xf32, #tpu.memory_space<vmem_shared>>) attributes {dimension_semantics = [#tpu.dimension_semantics<core_parallel>, #tpu.dimension_semantics<subcore_parallel>], iteration_bounds = array<i64: 2, 16>, scalar_prefetch = 0 : i64, scratch_operands = 4 : i64, tpu.core_type = #tpu.core_type<sc_vector_subcore>, window_params = [{transform_indices = #map}, {transform_indices = #map1}]} {
    %mul3A = arith.constant 16 : i32
    %mul3A_0 = arith.muli %arg0, %mul3A : i32
    %add3A = arith.addi %mul3A_0, %arg1 : i32
    "tpu.region"() ({
      %run_scoped3A = tpu.sem_alloc : memref<!tpu.dma_semaphore, #tpu.memory_space<semaphore_mem>>
      %dma_start3A = arith.constant 0 : i32
      %dma_start3A_25 = arith.constant 0 : i32
      %dma_start3A_26 = arith.constant 0 : i32
      %dma_start3A_27 = tpu.memref_slice %arg2[%add3A, %dma_start3A, %dma_start3A_25, %dma_start3A_26] : memref<32x79x1x128xi32, #tpu.memory_space<hbm>> -> memref<1x79x1x128xi32, #tpu.memory_space<hbm>>
      %dma_start3A_28 = tpu.memref_squeeze %dma_start3A_27 : memref<1x79x1x128xi32, #tpu.memory_space<hbm>> -> memref<79x1x128xi32, #tpu.memory_space<hbm>>
      %dma_start3A_29 = arith.constant 0 : i32
      %dma_start3A_30 = arith.constant 0 : i32
      %dma_start3A_31 = arith.constant 0 : i32
      %dma_start3A_32 = tpu.memref_slice %arg2[%add3A, %dma_start3A_29, %dma_start3A_30, %dma_start3A_31] : memref<32x79x1x128xi32, #tpu.memory_space<hbm>> -> memref<1x79x1x128xi32, #tpu.memory_space<hbm>>
      %dma_start3A_33 = tpu.memref_squeeze %dma_start3A_32 : memref<1x79x1x128xi32, #tpu.memory_space<hbm>> -> memref<79x1x128xi32, #tpu.memory_space<hbm>>
      tpu.enqueue_dma source(%dma_start3A_33 : memref<79x1x128xi32, #tpu.memory_space<hbm>>) target(%arg4 : memref<79x1x128xi32, #tpu.memory_space<vmem>>) target_semaphore(%run_scoped3A : memref<!tpu.dma_semaphore, #tpu.memory_space<semaphore_mem>>)
      %dma_wait3A = arith.constant 0 : i32
      %dma_wait3A_34 = arith.constant 0 : i32
      %dma_wait3A_35 = arith.constant 0 : i32
      %dma_wait3A_36 = tpu.memref_slice %arg2[%add3A, %dma_wait3A, %dma_wait3A_34, %dma_wait3A_35] : memref<32x79x1x128xi32, #tpu.memory_space<hbm>> -> memref<1x79x1x128xi32, #tpu.memory_space<hbm>>
      %dma_wait3A_37 = tpu.memref_squeeze %dma_wait3A_36 : memref<1x79x1x128xi32, #tpu.memory_space<hbm>> -> memref<79x1x128xi32, #tpu.memory_space<hbm>>
      %dma_wait3A_38 = arith.constant 0 : i32
      %dma_wait3A_39 = arith.constant 0 : i32
      %dma_wait3A_40 = arith.constant 0 : i32
      %dma_wait3A_41 = tpu.memref_slice %arg2[%add3A, %dma_wait3A_38, %dma_wait3A_39, %dma_wait3A_40] : memref<32x79x1x128xi32, #tpu.memory_space<hbm>> -> memref<1x79x1x128xi32, #tpu.memory_space<hbm>>
      %dma_wait3A_42 = tpu.memref_squeeze %dma_wait3A_41 : memref<1x79x1x128xi32, #tpu.memory_space<hbm>> -> memref<79x1x128xi32, #tpu.memory_space<hbm>>
      tpu.wait_dma2 semaphore(%run_scoped3A : memref<!tpu.dma_semaphore, #tpu.memory_space<semaphore_mem>>) src(%dma_wait3A_42 : memref<79x1x128xi32, #tpu.memory_space<hbm>>) dst(%arg4 : memref<79x1x128xi32, #tpu.memory_space<vmem>>)
      tpu.yield
    }) : () -> ()
    %broadcast_in_dim3A = arith.constant 0.000000e+00 : f32
    %broadcast_in_dim3A_1 = vector.broadcast %broadcast_in_dim3A : f32 to vector<16xf32>
    %scan3A = arith.constant 0 : i32
    %scan3A_2 = arith.constant 80 : i32
    %scan3A_3 = arith.addi %scan3A, %scan3A_2 : i32
    %scan3A_4 = arith.constant 1 : i32
    scf.for %scan3A_25 = %scan3A to %scan3A_3 step %scan3A_4  : i32 {
      %mul3A_26 = arith.constant 1 : i32
      %mul3A_27 = arith.muli %scan3A_25, %mul3A_26 : i32
      %add3A_28 = arith.constant 0 : i32
      %add3A_29 = arith.addi %add3A_28, %mul3A_27 : i32
      %scan3A_30 = arith.constant 0 : i32
      %scan3A_31 = arith.constant 8 : i32
      %scan3A_32 = arith.addi %scan3A_30, %scan3A_31 : i32
      %scan3A_33 = arith.constant 1 : i32
      scf.for %scan3A_35 = %scan3A_30 to %scan3A_32 step %scan3A_33  : i32 {
        %mul3A_36 = arith.constant 16 : i32
        %mul3A_37 = arith.muli %scan3A_35, %mul3A_36 : i32
        %add3A_38 = arith.constant 0 : i32
        %add3A_39 = arith.addi %add3A_38, %mul3A_37 : i32
        %swap3A = arith.index_cast %add3A_29 : i32 to index
        %swap3A_40 = arith.index_cast %add3A_39 : i32 to index
        %swap3A_41 = tpu.vector_load %arg5[%swap3A, %swap3A_40] {strides = array<i32>} : memref<80x128xf32, #tpu.memory_space<vmem>>, vector<16xf32>,
        tpu.vector_store %arg5[%swap3A, %swap3A_40], %broadcast_in_dim3A_1 {strides = array<i32>} : memref<80x128xf32, #tpu.memory_space<vmem>>, vector<16xf32>,
      }
      %scan3A_34 = arith.constant 8 : i32
    }
    %scan3A_5 = arith.constant 80 : i32
    %eq3A = arith.constant 0 : i32
    %eq3A_6 = arith.cmpi eq, %arg1, %eq3A : i32
    %convert_element_type3A = arith.extui %eq3A_6 : i1 to i32
    %cond3A = arith.constant 0 : i32
    %cond3A_7 = arith.cmpi ne, %convert_element_type3A, %cond3A : i32
    scf.if %cond3A_7 {
      "tpu.region"() ({
        %run_scoped3A = tpu.sem_alloc : memref<!tpu.dma_semaphore, #tpu.memory_space<semaphore_mem>>
        tpu.enqueue_dma source(%arg5 : memref<80x128xf32, #tpu.memory_space<vmem>>) target(%arg7 : memref<80x128xf32, #tpu.memory_space<vmem_shared>>) target_semaphore(%run_scoped3A : memref<!tpu.dma_semaphore, #tpu.memory_space<semaphore_mem>>)
        tpu.wait_dma2 semaphore(%run_scoped3A : memref<!tpu.dma_semaphore, #tpu.memory_space<semaphore_mem>>) src(%arg5 : memref<80x128xf32, #tpu.memory_space<vmem>>) dst(%arg7 : memref<80x128xf32, #tpu.memory_space<vmem_shared>>)
        tpu.yield
      }) : () -> ()
    } else {
    }
    %scan3A_8 = arith.constant 0 : i32
    %scan3A_9 = arith.constant 5 : i32
    %scan3A_10 = arith.addi %scan3A_8, %scan3A_9 : i32
    %scan3A_11 = arith.constant 1 : i32
    scf.for %scan3A_25 = %scan3A_8 to %scan3A_10 step %scan3A_11  : i32 {
      %mul3A_26 = arith.constant 16 : i32
      %mul3A_27 = arith.muli %scan3A_25, %mul3A_26 : i32
      %add3A_28 = arith.constant 0 : i32
      %add3A_29 = arith.addi %add3A_28, %mul3A_27 : i32
      %iota3A = tpu.iota {dimensions = array<i32: 0>} : vector<16xi32>
      %add3A_30 = vector.broadcast %add3A_29 : i32 to vector<16xi32>
      %add3A_31 = arith.addi %iota3A, %add3A_30 : vector<16xi32>
      %swap3A = arith.index_cast %add3A_29 : i32 to index
      %swap3A_32 = tpu.vector_load %arg6[%swap3A] {strides = array<i32>} : memref<80xi32, #tpu.memory_space<vmem>>, vector<16xi32>,
      tpu.vector_store %arg6[%swap3A], %add3A_31 {strides = array<i32>} : memref<80xi32, #tpu.memory_space<vmem>>, vector<16xi32>,
    }
    %scan3A_12 = arith.constant 5 : i32
    %barrier3A = arith.constant 0 : index
    tpu.barrier barrier_id(%barrier3A)
    %broadcast_in_dim3A_13 = arith.constant 1.000000e+00 : f32
    %broadcast_in_dim3A_14 = vector.broadcast %broadcast_in_dim3A_13 : f32 to vector<16xf32>
    %scan3A_15 = arith.constant 0 : i32
    %scan3A_16 = arith.constant 79 : i32
    %scan3A_17 = arith.addi %scan3A_15, %scan3A_16 : i32
    %scan3A_18 = arith.constant 1 : i32
    scf.for %scan3A_25 = %scan3A_15 to %scan3A_17 step %scan3A_18  : i32 {
      %mul3A_26 = arith.constant 1 : i32
      %mul3A_27 = arith.muli %scan3A_25, %mul3A_26 : i32
      %add3A_28 = arith.constant 0 : i32
      %add3A_29 = arith.addi %add3A_28, %mul3A_27 : i32
      %scan3A_30 = arith.constant 0 : i32
      %scan3A_31 = arith.constant 8 : i32
      %scan3A_32 = arith.addi %scan3A_30, %scan3A_31 : i32
      %scan3A_33 = arith.constant 1 : i32
      scf.for %scan3A_35 = %scan3A_30 to %scan3A_32 step %scan3A_33  : i32 {
        %mul3A_36 = arith.constant 16 : i32
        %mul3A_37 = arith.muli %scan3A_35, %mul3A_36 : i32
        %add3A_38 = arith.constant 0 : i32
        %add3A_39 = arith.addi %add3A_38, %mul3A_37 : i32
        %get3A = arith.constant 0 : i32
        %get3A_40 = arith.index_cast %add3A_29 : i32 to index
        %get3A_41 = arith.index_cast %get3A : i32 to index
        %get3A_42 = arith.index_cast %add3A_39 : i32 to index
        %get3A_43 = tpu.vector_load %arg4[%get3A_40, %get3A_41, %get3A_42] {strides = array<i32>} : memref<79x1x128xi32, #tpu.memory_space<vmem>>, vector<16xi32>,
        %shift_right_logical3A = arith.constant 7 : i32
        %shift_right_logical3A_44 = vector.broadcast %shift_right_logical3A : i32 to vector<16xi32>
        %shift_right_logical3A_45 = arith.shrui %get3A_43, %shift_right_logical3A_44 : vector<16xi32>
        %and3A = arith.constant 127 : i32
        %and3A_46 = vector.broadcast %and3A : i32 to vector<16xi32>
        %and3A_47 = arith.andi %get3A_43, %and3A_46 : vector<16xi32>
        tpu.vector_store_idx %arg5[%shift_right_logical3A_45, %and3A_47], %broadcast_in_dim3A_14 {add = true} : memref<80x128xf32, #tpu.memory_space<vmem>>[vector<16xi32>, vector<16xi32>], vector<16xf32>,
      }
      %scan3A_34 = arith.constant 8 : i32
    }
    %scan3A_19 = arith.constant 79 : i32
    "tpu.region"() ({
      %run_scoped3A = tpu.sem_alloc : memref<!tpu.dma_semaphore, #tpu.memory_space<semaphore_mem>>
      %dma_start3A = arith.constant 0 : i32
      %dma_start3A_25 = arith.constant 0 : i32
      %dma_start3A_26 = tpu.memref_slice %arg7[%dma_start3A, %dma_start3A_25] : memref<80x128xf32, #tpu.memory_space<vmem_shared>> -> memref<80x128xf32, #tpu.memory_space<vmem_shared>>
      tpu.enqueue_indirect_dma source(%arg5 : memref<80x128xf32, #tpu.memory_space<vmem>>) target(%dma_start3A_26 : memref<80x128xf32, #tpu.memory_space<vmem_shared>>) offsets(%arg6 : memref<80xi32, #tpu.memory_space<vmem>>) semaphore(%run_scoped3A : memref<!tpu.dma_semaphore, #tpu.memory_space<semaphore_mem>>) {add = true}
      %dma_wait3A = arith.constant 0 : i32
      %dma_wait3A_27 = arith.constant 0 : i32
      %dma_wait3A_28 = tpu.memref_slice %arg7[%dma_wait3A, %dma_wait3A_27] : memref<80x128xf32, #tpu.memory_space<vmem_shared>> -> memref<80x128xf32, #tpu.memory_space<vmem_shared>>
      tpu.wait_indirect_dma semaphore(%run_scoped3A : memref<!tpu.dma_semaphore, #tpu.memory_space<semaphore_mem>>) src(%arg5 : memref<80x128xf32, #tpu.memory_space<vmem>>) dst(%dma_wait3A_28 : memref<80x128xf32, #tpu.memory_space<vmem_shared>>)
      tpu.yield
    }) : () -> ()
    %barrier3A_20 = arith.constant 0 : index
    tpu.barrier barrier_id(%barrier3A_20)
    %lt3A = arith.constant 10 : i32
    %lt3A_21 = arith.cmpi slt, %arg1, %lt3A : i32
    %convert_element_type3A_22 = arith.extui %lt3A_21 : i1 to i32
    %cond3A_23 = arith.constant 0 : i32
    %cond3A_24 = arith.cmpi ne, %convert_element_type3A_22, %cond3A_23 : i32
    scf.if %cond3A_24 {
      %mul3A_25 = arith.constant 8 : i32
      %mul3A_26 = arith.muli %arg1, %mul3A_25 : i32
      %mul3A_27 = arith.constant 8 : i32
      %mul3A_28 = arith.muli %arg1, %mul3A_27 : i32
      "tpu.region"() ({
        %run_scoped3A = tpu.sem_alloc : memref<!tpu.dma_semaphore, #tpu.memory_space<semaphore_mem>>
        %dma_start3A = arith.constant 0 : i32
        %dma_start3A_29 = tpu.memref_slice %arg3[%arg0, %mul3A_28, %dma_start3A] : memref<2x80x128xf32, #tpu.memory_space<hbm>> -> memref<1x8x128xf32, #tpu.memory_space<hbm>>
        %dma_start3A_30 = tpu.memref_squeeze %dma_start3A_29 : memref<1x8x128xf32, #tpu.memory_space<hbm>> -> memref<8x128xf32, #tpu.memory_space<hbm>>
        %dma_start3A_31 = arith.constant 0 : i32
        %dma_start3A_32 = tpu.memref_slice %arg7[%mul3A_26, %dma_start3A_31] : memref<80x128xf32, #tpu.memory_space<vmem_shared>> -> memref<8x128xf32, #tpu.memory_space<vmem_shared>>
        tpu.enqueue_dma source(%dma_start3A_32 : memref<8x128xf32, #tpu.memory_space<vmem_shared>>) target(%dma_start3A_30 : memref<8x128xf32, #tpu.memory_space<hbm>>) target_semaphore(%run_scoped3A : memref<!tpu.dma_semaphore, #tpu.memory_space<semaphore_mem>>)
        %dma_wait3A = arith.constant 0 : i32
        %dma_wait3A_33 = tpu.memref_slice %arg3[%arg0, %mul3A_28, %dma_wait3A] : memref<2x80x128xf32, #tpu.memory_space<hbm>> -> memref<1x8x128xf32, #tpu.memory_space<hbm>>
        %dma_wait3A_34 = tpu.memref_squeeze %dma_wait3A_33 : memref<1x8x128xf32, #tpu.memory_space<hbm>> -> memref<8x128xf32, #tpu.memory_space<hbm>>
        %dma_wait3A_35 = arith.constant 0 : i32
        %dma_wait3A_36 = tpu.memref_slice %arg7[%mul3A_26, %dma_wait3A_35] : memref<80x128xf32, #tpu.memory_space<vmem_shared>> -> memref<8x128xf32, #tpu.memory_space<vmem_shared>>
        tpu.wait_dma2 semaphore(%run_scoped3A : memref<!tpu.dma_semaphore, #tpu.memory_space<semaphore_mem>>) src(%dma_wait3A_36 : memref<8x128xf32, #tpu.memory_space<vmem_shared>>) dst(%dma_wait3A_34 : memref<8x128xf32, #tpu.memory_space<hbm>>)
        tpu.yield
      }) : () -> ()
    } else {
    }
    return
  }
}

#map = affine_map<(d0, d1) -> (0, 0)>
#map1 = affine_map<(d0, d1) -> (0, 0, 0, 0)>
#map2 = affine_map<(d0, d1) -> (0, 0, 0)>
module attributes {stable_mosaic.version = 14 : i64} {
  func.func @scat(%arg0: i32, %arg1: i32, %arg2: memref<10240x128xf32, #tpu.memory_space<hbm>>, %arg3: memref<16x158x1x128xi32, #tpu.memory_space<hbm>>, %arg4: memref<16x158x1x128xi32, #tpu.memory_space<hbm>>, %arg5: memref<2x10240x128xf32, #tpu.memory_space<hbm>>, %arg6: memref<2x1x128xi32, #tpu.memory_space<vmem>>, %arg7: memref<2x1x128xi32, #tpu.memory_space<vmem>>, %arg8: memref<2x128x128xf32, #tpu.memory_space<vmem>>, %arg9: memref<2x!tpu.dma_semaphore, #tpu.memory_space<semaphore_mem>>, %arg10: memref<2x!tpu.dma_semaphore, #tpu.memory_space<semaphore_mem>>, %arg11: memref<2x!tpu.dma_semaphore, #tpu.memory_space<semaphore_mem>>, %arg12: memref<10240x128xf32, #tpu.memory_space<vmem_shared>>) attributes {dimension_semantics = [#tpu.dimension_semantics<core_parallel>, #tpu.dimension_semantics<subcore_parallel>], iteration_bounds = array<i64: 2, 16>, scalar_prefetch = 0 : i64, scratch_operands = 7 : i64, tpu.core_type = #tpu.core_type<sc_vector_subcore>, window_params = [{transform_indices = #map}, {transform_indices = #map1}, {transform_indices = #map1}, {transform_indices = #map2}]} {
    %broadcast_in_dim3A = arith.constant 0.000000e+00 : f32
    %broadcast_in_dim3A_0 = vector.broadcast %broadcast_in_dim3A : f32 to vector<16xf32>
    %scan3A = arith.constant 0 : i32
    %scan3A_1 = arith.constant 128 : i32
    %scan3A_2 = arith.addi %scan3A, %scan3A_1 : i32
    %scan3A_3 = arith.constant 1 : i32
    scf.for %scan3A_21 = %scan3A to %scan3A_2 step %scan3A_3  : i32 {
      %mul3A_22 = arith.constant 1 : i32
      %mul3A_23 = arith.muli %scan3A_21, %mul3A_22 : i32
      %add3A = arith.constant 0 : i32
      %add3A_24 = arith.addi %add3A, %mul3A_23 : i32
      %scan3A_25 = arith.constant 0 : i32
      %scan3A_26 = arith.constant 8 : i32
      %scan3A_27 = arith.addi %scan3A_25, %scan3A_26 : i32
      %scan3A_28 = arith.constant 1 : i32
      scf.for %scan3A_30 = %scan3A_25 to %scan3A_27 step %scan3A_28  : i32 {
        %mul3A_31 = arith.constant 16 : i32
        %mul3A_32 = arith.muli %scan3A_30, %mul3A_31 : i32
        %add3A_33 = arith.constant 0 : i32
        %add3A_34 = arith.addi %add3A_33, %mul3A_32 : i32
        %swap3A = arith.constant 0 : i32
        %swap3A_35 = arith.index_cast %swap3A : i32 to index
        %swap3A_36 = arith.index_cast %add3A_24 : i32 to index
        %swap3A_37 = arith.index_cast %add3A_34 : i32 to index
        %swap3A_38 = tpu.vector_load %arg8[%swap3A_35, %swap3A_36, %swap3A_37] {strides = array<i32>} : memref<2x128x128xf32, #tpu.memory_space<vmem>>, vector<16xf32>,
        tpu.vector_store %arg8[%swap3A_35, %swap3A_36, %swap3A_37], %broadcast_in_dim3A_0 {strides = array<i32>} : memref<2x128x128xf32, #tpu.memory_space<vmem>>, vector<16xf32>,
      }
      %scan3A_29 = arith.constant 8 : i32
    }
    %scan3A_4 = arith.constant 128 : i32
    %scan3A_5 = arith.constant 0 : i32
    %scan3A_6 = arith.constant 5 : i32
    %scan3A_7 = arith.addi %scan3A_5, %scan3A_6 : i32
    %scan3A_8 = arith.constant 1 : i32
    scf.for %scan3A_21 = %scan3A_5 to %scan3A_7 step %scan3A_8  : i32 {
      %mul3A_22 = arith.constant 128 : i32
      %mul3A_23 = arith.muli %scan3A_21, %mul3A_22 : i32
      %add3A = arith.constant 0 : i32
      %add3A_24 = arith.addi %add3A, %mul3A_23 : i32
      %mul3A_25 = arith.constant 640 : i32
      %mul3A_26 = arith.muli %arg1, %mul3A_25 : i32
      %add3A_27 = arith.addi %mul3A_26, %add3A_24 : i32
      %run_scoped3A = arith.constant 0 : i32
      "tpu.region"() ({
        %run_scoped3A_28 = tpu.sem_alloc : memref<!tpu.dma_semaphore, #tpu.memory_space<semaphore_mem>>
        %dma_start3A = arith.constant 0 : i32
        %dma_start3A_29 = arith.constant 0 : i32
        %dma_start3A_30 = tpu.memref_slice %arg8[%run_scoped3A, %dma_start3A, %dma_start3A_29] : memref<2x128x128xf32, #tpu.memory_space<vmem>> -> memref<1x128x128xf32, #tpu.memory_space<vmem>>
        %dma_start3A_31 = tpu.memref_squeeze %dma_start3A_30 : memref<1x128x128xf32, #tpu.memory_space<vmem>> -> memref<128x128xf32, #tpu.memory_space<vmem>>
        %dma_start3A_32 = arith.constant 0 : i32
        %dma_start3A_33 = tpu.memref_slice %arg12[%add3A_27, %dma_start3A_32] : memref<10240x128xf32, #tpu.memory_space<vmem_shared>> -> memref<128x128xf32, #tpu.memory_space<vmem_shared>>
        %dma_start3A_34 = arith.constant 0 : i32
        %dma_start3A_35 = tpu.memref_slice %arg12[%add3A_27, %dma_start3A_34] : memref<10240x128xf32, #tpu.memory_space<vmem_shared>> -> memref<128x128xf32, #tpu.memory_space<vmem_shared>>
        %dma_start3A_36 = arith.constant 0 : i32
        %dma_start3A_37 = arith.constant 0 : i32
        %dma_start3A_38 = tpu.memref_slice %arg8[%run_scoped3A, %dma_start3A_36, %dma_start3A_37] : memref<2x128x128xf32, #tpu.memory_space<vmem>> -> memref<1x128x128xf32, #tpu.memory_space<vmem>>
        %dma_start3A_39 = tpu.memref_squeeze %dma_start3A_38 : memref<1x128x128xf32, #tpu.memory_space<vmem>> -> memref<128x128xf32, #tpu.memory_space<vmem>>
        tpu.enqueue_dma source(%dma_start3A_39 : memref<128x128xf32, #tpu.memory_space<vmem>>) target(%dma_start3A_35 : memref<128x128xf32, #tpu.memory_space<vmem_shared>>) target_semaphore(%run_scoped3A_28 : memref<!tpu.dma_semaphore, #tpu.memory_space<semaphore_mem>>)
        %dma_wait3A = arith.constant 0 : i32
        %dma_wait3A_40 = arith.constant 0 : i32
        %dma_wait3A_41 = tpu.memref_slice %arg8[%run_scoped3A, %dma_wait3A, %dma_wait3A_40] : memref<2x128x128xf32, #tpu.memory_space<vmem>> -> memref<1x128x128xf32, #tpu.memory_space<vmem>>
        %dma_wait3A_42 = tpu.memref_squeeze %dma_wait3A_41 : memref<1x128x128xf32, #tpu.memory_space<vmem>> -> memref<128x128xf32, #tpu.memory_space<vmem>>
        %dma_wait3A_43 = arith.constant 0 : i32
        %dma_wait3A_44 = tpu.memref_slice %arg12[%add3A_27, %dma_wait3A_43] : memref<10240x128xf32, #tpu.memory_space<vmem_shared>> -> memref<128x128xf32, #tpu.memory_space<vmem_shared>>
        %dma_wait3A_45 = arith.constant 0 : i32
        %dma_wait3A_46 = tpu.memref_slice %arg12[%add3A_27, %dma_wait3A_45] : memref<10240x128xf32, #tpu.memory_space<vmem_shared>> -> memref<128x128xf32, #tpu.memory_space<vmem_shared>>
        %dma_wait3A_47 = arith.constant 0 : i32
        %dma_wait3A_48 = arith.constant 0 : i32
        %dma_wait3A_49 = tpu.memref_slice %arg8[%run_scoped3A, %dma_wait3A_47, %dma_wait3A_48] : memref<2x128x128xf32, #tpu.memory_space<vmem>> -> memref<1x128x128xf32, #tpu.memory_space<vmem>>
        %dma_wait3A_50 = tpu.memref_squeeze %dma_wait3A_49 : memref<1x128x128xf32, #tpu.memory_space<vmem>> -> memref<128x128xf32, #tpu.memory_space<vmem>>
        tpu.wait_dma2 semaphore(%run_scoped3A_28 : memref<!tpu.dma_semaphore, #tpu.memory_space<semaphore_mem>>) src(%dma_wait3A_50 : memref<128x128xf32, #tpu.memory_space<vmem>>) dst(%dma_wait3A_46 : memref<128x128xf32, #tpu.memory_space<vmem_shared>>)
        tpu.yield
      }) : () -> ()
    }
    %scan3A_9 = arith.constant 5 : i32
    %barrier3A = arith.constant 0 : index
    tpu.barrier barrier_id(%barrier3A)
    %eq3A = arith.constant 0 : i32
    %eq3A_10 = arith.cmpi eq, %arg0, %eq3A : i32
    %convert_element_type3A = arith.extui %eq3A_10 : i1 to i32
    %cond3A = arith.constant 0 : i32
    %cond3A_11 = arith.cmpi ne, %convert_element_type3A, %cond3A : i32
    scf.if %cond3A_11 {
      %dma_start3A = arith.constant 0 : i32
      %dma_start3A_21 = arith.constant 0 : i32
      %dma_start3A_22 = arith.constant 0 : i32
      %dma_start3A_23 = arith.constant 0 : i32
      %dma_start3A_24 = arith.constant 0 : i32
      %dma_start3A_25 = tpu.memref_slice %arg6[%dma_start3A_21, %dma_start3A_23, %dma_start3A_24] : memref<2x1x128xi32, #tpu.memory_space<vmem>> -> memref<1x1x128xi32, #tpu.memory_space<vmem>>
      %dma_start3A_26 = tpu.memref_squeeze %dma_start3A_25 : memref<1x1x128xi32, #tpu.memory_space<vmem>> -> memref<1x128xi32, #tpu.memory_space<vmem>>
      %dma_start3A_27 = arith.constant 0 : i32
      %dma_start3A_28 = arith.constant 0 : i32
      %dma_start3A_29 = tpu.memref_slice %arg3[%arg1, %dma_start3A, %dma_start3A_27, %dma_start3A_28] : memref<16x158x1x128xi32, #tpu.memory_space<hbm>> -> memref<1x1x1x128xi32, #tpu.memory_space<hbm>>
      %dma_start3A_30 = tpu.memref_squeeze %dma_start3A_29 : memref<1x1x1x128xi32, #tpu.memory_space<hbm>> -> memref<1x128xi32, #tpu.memory_space<hbm>>
      %dma_start3A_31 = tpu.memref_slice %arg9[%dma_start3A_22] : memref<2x!tpu.dma_semaphore, #tpu.memory_space<semaphore_mem>> -> memref<1x!tpu.dma_semaphore, #tpu.memory_space<semaphore_mem>>
      %dma_start3A_32 = tpu.memref_squeeze %dma_start3A_31 : memref<1x!tpu.dma_semaphore, #tpu.memory_space<semaphore_mem>> -> memref<!tpu.dma_semaphore, #tpu.memory_space<semaphore_mem>>
      %dma_start3A_33 = arith.constant 0 : i32
      %dma_start3A_34 = arith.constant 0 : i32
      %dma_start3A_35 = tpu.memref_slice %arg6[%dma_start3A_21, %dma_start3A_33, %dma_start3A_34] : memref<2x1x128xi32, #tpu.memory_space<vmem>> -> memref<1x1x128xi32, #tpu.memory_space<vmem>>
      %dma_start3A_36 = tpu.memref_squeeze %dma_start3A_35 : memref<1x1x128xi32, #tpu.memory_space<vmem>> -> memref<1x128xi32, #tpu.memory_space<vmem>>
      %dma_start3A_37 = arith.constant 0 : i32
      %dma_start3A_38 = arith.constant 0 : i32
      %dma_start3A_39 = tpu.memref_slice %arg3[%arg1, %dma_start3A, %dma_start3A_37, %dma_start3A_38] : memref<16x158x1x128xi32, #tpu.memory_space<hbm>> -> memref<1x1x1x128xi32, #tpu.memory_space<hbm>>
      %dma_start3A_40 = tpu.memref_squeeze %dma_start3A_39 : memref<1x1x1x128xi32, #tpu.memory_space<hbm>> -> memref<1x128xi32, #tpu.memory_space<hbm>>
      tpu.enqueue_dma source(%dma_start3A_40 : memref<1x128xi32, #tpu.memory_space<hbm>>) target(%dma_start3A_36 : memref<1x128xi32, #tpu.memory_space<vmem>>) target_semaphore(%dma_start3A_32 : memref<!tpu.dma_semaphore, #tpu.memory_space<semaphore_mem>>)
      %dma_start3A_41 = arith.constant 0 : i32
      %dma_start3A_42 = arith.constant 0 : i32
      %dma_start3A_43 = arith.constant 0 : i32
      %dma_start3A_44 = arith.constant 0 : i32
      %dma_start3A_45 = arith.constant 0 : i32
      %dma_start3A_46 = tpu.memref_slice %arg7[%dma_start3A_42, %dma_start3A_44, %dma_start3A_45] : memref<2x1x128xi32, #tpu.memory_space<vmem>> -> memref<1x1x128xi32, #tpu.memory_space<vmem>>
      %dma_start3A_47 = tpu.memref_squeeze %dma_start3A_46 : memref<1x1x128xi32, #tpu.memory_space<vmem>> -> memref<1x128xi32, #tpu.memory_space<vmem>>
      %dma_start3A_48 = arith.constant 0 : i32
      %dma_start3A_49 = arith.constant 0 : i32
      %dma_start3A_50 = tpu.memref_slice %arg4[%arg1, %dma_start3A_41, %dma_start3A_48, %dma_start3A_49] : memref<16x158x1x128xi32, #tpu.memory_space<hbm>> -> memref<1x1x1x128xi32, #tpu.memory_space<hbm>>
      %dma_start3A_51 = tpu.memref_squeeze %dma_start3A_50 : memref<1x1x1x128xi32, #tpu.memory_space<hbm>> -> memref<1x128xi32, #tpu.memory_space<hbm>>
      %dma_start3A_52 = tpu.memref_slice %arg10[%dma_start3A_43] : memref<2x!tpu.dma_semaphore, #tpu.memory_space<semaphore_mem>> -> memref<1x!tpu.dma_semaphore, #tpu.memory_space<semaphore_mem>>
      %dma_start3A_53 = tpu.memref_squeeze %dma_start3A_52 : memref<1x!tpu.dma_semaphore, #tpu.memory_space<semaphore_mem>> -> memref<!tpu.dma_semaphore, #tpu.memory_space<semaphore_mem>>
      %dma_start3A_54 = arith.constant 0 : i32
      %dma_start3A_55 = arith.constant 0 : i32
      %dma_start3A_56 = tpu.memref_slice %arg7[%dma_start3A_42, %dma_start3A_54, %dma_start3A_55] : memref<2x1x128xi32, #tpu.memory_space<vmem>> -> memref<1x1x128xi32, #tpu.memory_space<vmem>>
      %dma_start3A_57 = tpu.memref_squeeze %dma_start3A_56 : memref<1x1x128xi32, #tpu.memory_space<vmem>> -> memref<1x128xi32, #tpu.memory_space<vmem>>
      %dma_start3A_58 = arith.constant 0 : i32
      %dma_start3A_59 = arith.constant 0 : i32
      %dma_start3A_60 = tpu.memref_slice %arg4[%arg1, %dma_start3A_41, %dma_start3A_58, %dma_start3A_59] : memref<16x158x1x128xi32, #tpu.memory_space<hbm>> -> memref<1x1x1x128xi32, #tpu.memory_space<hbm>>
      %dma_start3A_61 = tpu.memref_squeeze %dma_start3A_60 : memref<1x1x1x128xi32, #tpu.memory_space<hbm>> -> memref<1x128xi32, #tpu.memory_space<hbm>>
      tpu.enqueue_dma source(%dma_start3A_61 : memref<1x128xi32, #tpu.memory_space<hbm>>) target(%dma_start3A_57 : memref<1x128xi32, #tpu.memory_space<vmem>>) target_semaphore(%dma_start3A_53 : memref<!tpu.dma_semaphore, #tpu.memory_space<semaphore_mem>>)
      %dma_start3A_62 = arith.constant 1 : i32
      %dma_start3A_63 = arith.constant 1 : i32
      %dma_start3A_64 = arith.constant 1 : i32
      %dma_start3A_65 = arith.constant 0 : i32
      %dma_start3A_66 = arith.constant 0 : i32
      %dma_start3A_67 = tpu.memref_slice %arg6[%dma_start3A_63, %dma_start3A_65, %dma_start3A_66] : memref<2x1x128xi32, #tpu.memory_space<vmem>> -> memref<1x1x128xi32, #tpu.memory_space<vmem>>
      %dma_start3A_68 = tpu.memref_squeeze %dma_start3A_67 : memref<1x1x128xi32, #tpu.memory_space<vmem>> -> memref<1x128xi32, #tpu.memory_space<vmem>>
      %dma_start3A_69 = arith.constant 0 : i32
      %dma_start3A_70 = arith.constant 0 : i32
      %dma_start3A_71 = tpu.memref_slice %arg3[%arg1, %dma_start3A_62, %dma_start3A_69, %dma_start3A_70] : memref<16x158x1x128xi32, #tpu.memory_space<hbm>> -> memref<1x1x1x128xi32, #tpu.memory_space<hbm>>
      %dma_start3A_72 = tpu.memref_squeeze %dma_start3A_71 : memref<1x1x1x128xi32, #tpu.memory_space<hbm>> -> memref<1x128xi32, #tpu.memory_space<hbm>>
      %dma_start3A_73 = tpu.memref_slice %arg9[%dma_start3A_64] : memref<2x!tpu.dma_semaphore, #tpu.memory_space<semaphore_mem>> -> memref<1x!tpu.dma_semaphore, #tpu.memory_space<semaphore_mem>>
      %dma_start3A_74 = tpu.memref_squeeze %dma_start3A_73 : memref<1x!tpu.dma_semaphore, #tpu.memory_space<semaphore_mem>> -> memref<!tpu.dma_semaphore, #tpu.memory_space<semaphore_mem>>
      %dma_start3A_75 = arith.constant 0 : i32
      %dma_start3A_76 = arith.constant 0 : i32
      %dma_start3A_77 = tpu.memref_slice %arg6[%dma_start3A_63, %dma_start3A_75, %dma_start3A_76] : memref<2x1x128xi32, #tpu.memory_space<vmem>> -> memref<1x1x128xi32, #tpu.memory_space<vmem>>
      %dma_start3A_78 = tpu.memref_squeeze %dma_start3A_77 : memref<1x1x128xi32, #tpu.memory_space<vmem>> -> memref<1x128xi32, #tpu.memory_space<vmem>>
      %dma_start3A_79 = arith.constant 0 : i32
      %dma_start3A_80 = arith.constant 0 : i32
      %dma_start3A_81 = tpu.memref_slice %arg3[%arg1, %dma_start3A_62, %dma_start3A_79, %dma_start3A_80] : memref<16x158x1x128xi32, #tpu.memory_space<hbm>> -> memref<1x1x1x128xi32, #tpu.memory_space<hbm>>
      %dma_start3A_82 = tpu.memref_squeeze %dma_start3A_81 : memref<1x1x1x128xi32, #tpu.memory_space<hbm>> -> memref<1x128xi32, #tpu.memory_space<hbm>>
      tpu.enqueue_dma source(%dma_start3A_82 : memref<1x128xi32, #tpu.memory_space<hbm>>) target(%dma_start3A_78 : memref<1x128xi32, #tpu.memory_space<vmem>>) target_semaphore(%dma_start3A_74 : memref<!tpu.dma_semaphore, #tpu.memory_space<semaphore_mem>>)
      %dma_start3A_83 = arith.constant 1 : i32
      %dma_start3A_84 = arith.constant 1 : i32
      %dma_start3A_85 = arith.constant 1 : i32
      %dma_start3A_86 = arith.constant 0 : i32
      %dma_start3A_87 = arith.constant 0 : i32
      %dma_start3A_88 = tpu.memref_slice %arg7[%dma_start3A_84, %dma_start3A_86, %dma_start3A_87] : memref<2x1x128xi32, #tpu.memory_space<vmem>> -> memref<1x1x128xi32, #tpu.memory_space<vmem>>
      %dma_start3A_89 = tpu.memref_squeeze %dma_start3A_88 : memref<1x1x128xi32, #tpu.memory_space<vmem>> -> memref<1x128xi32, #tpu.memory_space<vmem>>
      %dma_start3A_90 = arith.constant 0 : i32
      %dma_start3A_91 = arith.constant 0 : i32
      %dma_start3A_92 = tpu.memref_slice %arg4[%arg1, %dma_start3A_83, %dma_start3A_90, %dma_start3A_91] : memref<16x158x1x128xi32, #tpu.memory_space<hbm>> -> memref<1x1x1x128xi32, #tpu.memory_space<hbm>>
      %dma_start3A_93 = tpu.memref_squeeze %dma_start3A_92 : memref<1x1x1x128xi32, #tpu.memory_space<hbm>> -> memref<1x128xi32, #tpu.memory_space<hbm>>
      %dma_start3A_94 = tpu.memref_slice %arg10[%dma_start3A_85] : memref<2x!tpu.dma_semaphore, #tpu.memory_space<semaphore_mem>> -> memref<1x!tpu.dma_semaphore, #tpu.memory_space<semaphore_mem>>
      %dma_start3A_95 = tpu.memref_squeeze %dma_start3A_94 : memref<1x!tpu.dma_semaphore, #tpu.memory_space<semaphore_mem>> -> memref<!tpu.dma_semaphore, #tpu.memory_space<semaphore_mem>>
      %dma_start3A_96 = arith.constant 0 : i32
      %dma_start3A_97 = arith.constant 0 : i32
      %dma_start3A_98 = tpu.memref_slice %arg7[%dma_start3A_84, %dma_start3A_96, %dma_start3A_97] : memref<2x1x128xi32, #tpu.memory_space<vmem>> -> memref<1x1x128xi32, #tpu.memory_space<vmem>>
      %dma_start3A_99 = tpu.memref_squeeze %dma_start3A_98 : memref<1x1x128xi32, #tpu.memory_space<vmem>> -> memref<1x128xi32, #tpu.memory_space<vmem>>
      %dma_start3A_100 = arith.constant 0 : i32
      %dma_start3A_101 = arith.constant 0 : i32
      %dma_start3A_102 = tpu.memref_slice %arg4[%arg1, %dma_start3A_83, %dma_start3A_100, %dma_start3A_101] : memref<16x158x1x128xi32, #tpu.memory_space<hbm>> -> memref<1x1x1x128xi32, #tpu.memory_space<hbm>>
      %dma_start3A_103 = tpu.memref_squeeze %dma_start3A_102 : memref<1x1x1x128xi32, #tpu.memory_space<hbm>> -> memref<1x128xi32, #tpu.memory_space<hbm>>
      tpu.enqueue_dma source(%dma_start3A_103 : memref<1x128xi32, #tpu.memory_space<hbm>>) target(%dma_start3A_99 : memref<1x128xi32, #tpu.memory_space<vmem>>) target_semaphore(%dma_start3A_95 : memref<!tpu.dma_semaphore, #tpu.memory_space<semaphore_mem>>)
      %scan3A_104 = arith.constant 0 : i32
      %scan3A_105 = arith.constant 66 : i32
      %scan3A_106 = arith.addi %scan3A_104, %scan3A_105 : i32
      %scan3A_107 = arith.constant 1 : i32
      scf.for %scan3A_109 = %scan3A_104 to %scan3A_106 step %scan3A_107  : i32 {
        %mul3A_110 = arith.constant 2 : i32
        %mul3A_111 = arith.muli %scan3A_109, %mul3A_110 : i32
        %add3A = arith.constant 0 : i32
        %add3A_112 = arith.addi %add3A, %mul3A_111 : i32
        %dma_wait3A = arith.constant 0 : i32
        %dma_wait3A_113 = arith.constant 0 : i32
        %dma_wait3A_114 = arith.constant 0 : i32
        %dma_wait3A_115 = arith.constant 0 : i32
        %dma_wait3A_116 = arith.constant 0 : i32
        %dma_wait3A_117 = tpu.memref_slice %arg6[%dma_wait3A_113, %dma_wait3A_115, %dma_wait3A_116] : memref<2x1x128xi32, #tpu.memory_space<vmem>> -> memref<1x1x128xi32, #tpu.memory_space<vmem>>
        %dma_wait3A_118 = tpu.memref_squeeze %dma_wait3A_117 : memref<1x1x128xi32, #tpu.memory_space<vmem>> -> memref<1x128xi32, #tpu.memory_space<vmem>>
        %dma_wait3A_119 = arith.constant 0 : i32
        %dma_wait3A_120 = arith.constant 0 : i32
        %dma_wait3A_121 = tpu.memref_slice %arg3[%arg1, %dma_wait3A, %dma_wait3A_119, %dma_wait3A_120] : memref<16x158x1x128xi32, #tpu.memory_space<hbm>> -> memref<1x1x1x128xi32, #tpu.memory_space<hbm>>
        %dma_wait3A_122 = tpu.memref_squeeze %dma_wait3A_121 : memref<1x1x1x128xi32, #tpu.memory_space<hbm>> -> memref<1x128xi32, #tpu.memory_space<hbm>>
        %dma_wait3A_123 = tpu.memref_slice %arg9[%dma_wait3A_114] : memref<2x!tpu.dma_semaphore, #tpu.memory_space<semaphore_mem>> -> memref<1x!tpu.dma_semaphore, #tpu.memory_space<semaphore_mem>>
        %dma_wait3A_124 = tpu.memref_squeeze %dma_wait3A_123 : memref<1x!tpu.dma_semaphore, #tpu.memory_space<semaphore_mem>> -> memref<!tpu.dma_semaphore, #tpu.memory_space<semaphore_mem>>
        %dma_wait3A_125 = arith.constant 0 : i32
        %dma_wait3A_126 = arith.constant 0 : i32
        %dma_wait3A_127 = tpu.memref_slice %arg6[%dma_wait3A_113, %dma_wait3A_125, %dma_wait3A_126] : memref<2x1x128xi32, #tpu.memory_space<vmem>> -> memref<1x1x128xi32, #tpu.memory_space<vmem>>
        %dma_wait3A_128 = tpu.memref_squeeze %dma_wait3A_127 : memref<1x1x128xi32, #tpu.memory_space<vmem>> -> memref<1x128xi32, #tpu.memory_space<vmem>>
        %dma_wait3A_129 = arith.constant 0 : i32
        %dma_wait3A_130 = arith.constant 0 : i32
        %dma_wait3A_131 = tpu.memref_slice %arg3[%arg1, %dma_wait3A, %dma_wait3A_129, %dma_wait3A_130] : memref<16x158x1x128xi32, #tpu.memory_space<hbm>> -> memref<1x1x1x128xi32, #tpu.memory_space<hbm>>
        %dma_wait3A_132 = tpu.memref_squeeze %dma_wait3A_131 : memref<1x1x1x128xi32, #tpu.memory_space<hbm>> -> memref<1x128xi32, #tpu.memory_space<hbm>>
        tpu.wait_dma2 semaphore(%dma_wait3A_124 : memref<!tpu.dma_semaphore, #tpu.memory_space<semaphore_mem>>) src(%dma_wait3A_132 : memref<1x128xi32, #tpu.memory_space<hbm>>) dst(%dma_wait3A_128 : memref<1x128xi32, #tpu.memory_space<vmem>>)
        %dma_wait3A_133 = arith.constant 0 : i32
        %dma_wait3A_134 = arith.constant 0 : i32
        %dma_wait3A_135 = arith.constant 0 : i32
        %dma_wait3A_136 = arith.constant 0 : i32
        %dma_wait3A_137 = arith.constant 0 : i32
        %dma_wait3A_138 = tpu.memref_slice %arg7[%dma_wait3A_134, %dma_wait3A_136, %dma_wait3A_137] : memref<2x1x128xi32, #tpu.memory_space<vmem>> -> memref<1x1x128xi32, #tpu.memory_space<vmem>>
        %dma_wait3A_139 = tpu.memref_squeeze %dma_wait3A_138 : memref<1x1x128xi32, #tpu.memory_space<vmem>> -> memref<1x128xi32, #tpu.memory_space<vmem>>
        %dma_wait3A_140 = arith.constant 0 : i32
        %dma_wait3A_141 = arith.constant 0 : i32
        %dma_wait3A_142 = tpu.memref_slice %arg4[%arg1, %dma_wait3A_133, %dma_wait3A_140, %dma_wait3A_141] : memref<16x158x1x128xi32, #tpu.memory_space<hbm>> -> memref<1x1x1x128xi32, #tpu.memory_space<hbm>>
        %dma_wait3A_143 = tpu.memref_squeeze %dma_wait3A_142 : memref<1x1x1x128xi32, #tpu.memory_space<hbm>> -> memref<1x128xi32, #tpu.memory_space<hbm>>
        %dma_wait3A_144 = tpu.memref_slice %arg10[%dma_wait3A_135] : memref<2x!tpu.dma_semaphore, #tpu.memory_space<semaphore_mem>> -> memref<1x!tpu.dma_semaphore, #tpu.memory_space<semaphore_mem>>
        %dma_wait3A_145 = tpu.memref_squeeze %dma_wait3A_144 : memref<1x!tpu.dma_semaphore, #tpu.memory_space<semaphore_mem>> -> memref<!tpu.dma_semaphore, #tpu.memory_space<semaphore_mem>>
        %dma_wait3A_146 = arith.constant 0 : i32
        %dma_wait3A_147 = arith.constant 0 : i32
        %dma_wait3A_148 = tpu.memref_slice %arg7[%dma_wait3A_134, %dma_wait3A_146, %dma_wait3A_147] : memref<2x1x128xi32, #tpu.memory_space<vmem>> -> memref<1x1x128xi32, #tpu.memory_space<vmem>>
        %dma_wait3A_149 = tpu.memref_squeeze %dma_wait3A_148 : memref<1x1x128xi32, #tpu.memory_space<vmem>> -> memref<1x128xi32, #tpu.memory_space<vmem>>
        %dma_wait3A_150 = arith.constant 0 : i32
        %dma_wait3A_151 = arith.constant 0 : i32
        %dma_wait3A_152 = tpu.memref_slice %arg4[%arg1, %dma_wait3A_133, %dma_wait3A_150, %dma_wait3A_151] : memref<16x158x1x128xi32, #tpu.memory_space<hbm>> -> memref<1x1x1x128xi32, #tpu.memory_space<hbm>>
        %dma_wait3A_153 = tpu.memref_squeeze %dma_wait3A_152 : memref<1x1x1x128xi32, #tpu.memory_space<hbm>> -> memref<1x128xi32, #tpu.memory_space<hbm>>
        tpu.wait_dma2 semaphore(%dma_wait3A_145 : memref<!tpu.dma_semaphore, #tpu.memory_space<semaphore_mem>>) src(%dma_wait3A_153 : memref<1x128xi32, #tpu.memory_space<hbm>>) dst(%dma_wait3A_149 : memref<1x128xi32, #tpu.memory_space<vmem>>)
        %dma_start3A_154 = arith.constant 0 : i32
        %dma_start3A_155 = arith.constant 0 : i32
        %dma_start3A_156 = arith.constant 0 : i32
        %dma_start3A_157 = arith.constant 0 : i32
        %dma_start3A_158 = arith.constant 0 : i32
        %dma_start3A_159 = arith.constant 0 : i32
        %dma_start3A_160 = tpu.memref_slice %arg8[%dma_start3A_156, %dma_start3A_158, %dma_start3A_159] : memref<2x128x128xf32, #tpu.memory_space<vmem>> -> memref<1x128x128xf32, #tpu.memory_space<vmem>>
        %dma_start3A_161 = tpu.memref_squeeze %dma_start3A_160 : memref<1x128x128xf32, #tpu.memory_space<vmem>> -> memref<128x128xf32, #tpu.memory_space<vmem>>
        %dma_start3A_162 = arith.constant 0 : i32
        %dma_start3A_163 = tpu.memref_slice %arg6[%dma_start3A_154, %dma_start3A_155, %dma_start3A_162] : memref<2x1x128xi32, #tpu.memory_space<vmem>> -> memref<1x1x128xi32, #tpu.memory_space<vmem>>
        %dma_start3A_164 = tpu.memref_squeeze %dma_start3A_163 : memref<1x1x128xi32, #tpu.memory_space<vmem>> -> memref<128xi32, #tpu.memory_space<vmem>>
        %dma_start3A_165 = arith.constant 0 : i32
        %dma_start3A_166 = arith.constant 0 : i32
        %dma_start3A_167 = tpu.memref_slice %arg2[%dma_start3A_165, %dma_start3A_166] : memref<10240x128xf32, #tpu.memory_space<hbm>> -> memref<10240x128xf32, #tpu.memory_space<hbm>>
        %dma_start3A_168 = tpu.memref_slice %arg11[%dma_start3A_157] : memref<2x!tpu.dma_semaphore, #tpu.memory_space<semaphore_mem>> -> memref<1x!tpu.dma_semaphore, #tpu.memory_space<semaphore_mem>>
        %dma_start3A_169 = tpu.memref_squeeze %dma_start3A_168 : memref<1x!tpu.dma_semaphore, #tpu.memory_space<semaphore_mem>> -> memref<!tpu.dma_semaphore, #tpu.memory_space<semaphore_mem>>
        tpu.enqueue_indirect_dma source(%dma_start3A_167 : memref<10240x128xf32, #tpu.memory_space<hbm>>) target(%dma_start3A_161 : memref<128x128xf32, #tpu.memory_space<vmem>>) offsets(%dma_start3A_164 : memref<128xi32, #tpu.memory_space<vmem>>) semaphore(%dma_start3A_169 : memref<!tpu.dma_semaphore, #tpu.memory_space<semaphore_mem>>)
        %dma_wait3A_170 = arith.constant 0 : i32
        %dma_wait3A_171 = arith.constant 1 : i32
        %dma_wait3A_172 = arith.constant 1 : i32
        %dma_wait3A_173 = arith.constant 0 : i32
        %dma_wait3A_174 = arith.constant 0 : i32
        %dma_wait3A_175 = tpu.memref_slice %arg6[%dma_wait3A_171, %dma_wait3A_173, %dma_wait3A_174] : memref<2x1x128xi32, #tpu.memory_space<vmem>> -> memref<1x1x128xi32, #tpu.memory_space<vmem>>
        %dma_wait3A_176 = tpu.memref_squeeze %dma_wait3A_175 : memref<1x1x128xi32, #tpu.memory_space<vmem>> -> memref<1x128xi32, #tpu.memory_space<vmem>>
        %dma_wait3A_177 = arith.constant 0 : i32
        %dma_wait3A_178 = arith.constant 0 : i32
        %dma_wait3A_179 = tpu.memref_slice %arg3[%arg1, %dma_wait3A_170, %dma_wait3A_177, %dma_wait3A_178] : memref<16x158x1x128xi32, #tpu.memory_space<hbm>> -> memref<1x1x1x128xi32, #tpu.memory_space<hbm>>
        %dma_wait3A_180 = tpu.memref_squeeze %dma_wait3A_179 : memref<1x1x1x128xi32, #tpu.memory_space<hbm>> -> memref<1x128xi32, #tpu.memory_space<hbm>>
        %dma_wait3A_181 = tpu.memref_slice %arg9[%dma_wait3A_172] : memref<2x!tpu.dma_semaphore, #tpu.memory_space<semaphore_mem>> -> memref<1x!tpu.dma_semaphore, #tpu.memory_space<semaphore_mem>>
        %dma_wait3A_182 = tpu.memref_squeeze %dma_wait3A_181 : memref<1x!tpu.dma_semaphore, #tpu.memory_space<semaphore_mem>> -> memref<!tpu.dma_semaphore, #tpu.memory_space<semaphore_mem>>
        %dma_wait3A_183 = arith.constant 0 : i32
        %dma_wait3A_184 = arith.constant 0 : i32
        %dma_wait3A_185 = tpu.memref_slice %arg6[%dma_wait3A_171, %dma_wait3A_183, %dma_wait3A_184] : memref<2x1x128xi32, #tpu.memory_space<vmem>> -> memref<1x1x128xi32, #tpu.memory_space<vmem>>
        %dma_wait3A_186 = tpu.memref_squeeze %dma_wait3A_185 : memref<1x1x128xi32, #tpu.memory_space<vmem>> -> memref<1x128xi32, #tpu.memory_space<vmem>>
        %dma_wait3A_187 = arith.constant 0 : i32
        %dma_wait3A_188 = arith.constant 0 : i32
        %dma_wait3A_189 = tpu.memref_slice %arg3[%arg1, %dma_wait3A_170, %dma_wait3A_187, %dma_wait3A_188] : memref<16x158x1x128xi32, #tpu.memory_space<hbm>> -> memref<1x1x1x128xi32, #tpu.memory_space<hbm>>
        %dma_wait3A_190 = tpu.memref_squeeze %dma_wait3A_189 : memref<1x1x1x128xi32, #tpu.memory_space<hbm>> -> memref<1x128xi32, #tpu.memory_space<hbm>>
        tpu.wait_dma2 semaphore(%dma_wait3A_182 : memref<!tpu.dma_semaphore, #tpu.memory_space<semaphore_mem>>) src(%dma_wait3A_190 : memref<1x128xi32, #tpu.memory_space<hbm>>) dst(%dma_wait3A_186 : memref<1x128xi32, #tpu.memory_space<vmem>>)
        %dma_wait3A_191 = arith.constant 0 : i32
        %dma_wait3A_192 = arith.constant 1 : i32
        %dma_wait3A_193 = arith.constant 1 : i32
        %dma_wait3A_194 = arith.constant 0 : i32
        %dma_wait3A_195 = arith.constant 0 : i32
        %dma_wait3A_196 = tpu.memref_slice %arg7[%dma_wait3A_192, %dma_wait3A_194, %dma_wait3A_195] : memref<2x1x128xi32, #tpu.memory_space<vmem>> -> memref<1x1x128xi32, #tpu.memory_space<vmem>>
        %dma_wait3A_197 = tpu.memref_squeeze %dma_wait3A_196 : memref<1x1x128xi32, #tpu.memory_space<vmem>> -> memref<1x128xi32, #tpu.memory_space<vmem>>
        %dma_wait3A_198 = arith.constant 0 : i32
        %dma_wait3A_199 = arith.constant 0 : i32
        %dma_wait3A_200 = tpu.memref_slice %arg4[%arg1, %dma_wait3A_191, %dma_wait3A_198, %dma_wait3A_199] : memref<16x158x1x128xi32, #tpu.memory_space<hbm>> -> memref<1x1x1x128xi32, #tpu.memory_space<hbm>>
        %dma_wait3A_201 = tpu.memref_squeeze %dma_wait3A_200 : memref<1x1x1x128xi32, #tpu.memory_space<hbm>> -> memref<1x128xi32, #tpu.memory_space<hbm>>
        %dma_wait3A_202 = tpu.memref_slice %arg10[%dma_wait3A_193] : memref<2x!tpu.dma_semaphore, #tpu.memory_space<semaphore_mem>> -> memref<1x!tpu.dma_semaphore, #tpu.memory_space<semaphore_mem>>
        %dma_wait3A_203 = tpu.memref_squeeze %dma_wait3A_202 : memref<1x!tpu.dma_semaphore, #tpu.memory_space<semaphore_mem>> -> memref<!tpu.dma_semaphore, #tpu.memory_space<semaphore_mem>>
        %dma_wait3A_204 = arith.constant 0 : i32
        %dma_wait3A_205 = arith.constant 0 : i32
        %dma_wait3A_206 = tpu.memref_slice %arg7[%dma_wait3A_192, %dma_wait3A_204, %dma_wait3A_205] : memref<2x1x128xi32, #tpu.memory_space<vmem>> -> memref<1x1x128xi32, #tpu.memory_space<vmem>>
        %dma_wait3A_207 = tpu.memref_squeeze %dma_wait3A_206 : memref<1x1x128xi32, #tpu.memory_space<vmem>> -> memref<1x128xi32, #tpu.memory_space<vmem>>
        %dma_wait3A_208 = arith.constant 0 : i32
        %dma_wait3A_209 = arith.constant 0 : i32
        %dma_wait3A_210 = tpu.memref_slice %arg4[%arg1, %dma_wait3A_191, %dma_wait3A_208, %dma_wait3A_209] : memref<16x158x1x128xi32, #tpu.memory_space<hbm>> -> memref<1x1x1x128xi32, #tpu.memory_space<hbm>>
        %dma_wait3A_211 = tpu.memref_squeeze %dma_wait3A_210 : memref<1x1x1x128xi32, #tpu.memory_space<hbm>> -> memref<1x128xi32, #tpu.memory_space<hbm>>
        tpu.wait_dma2 semaphore(%dma_wait3A_203 : memref<!tpu.dma_semaphore, #tpu.memory_space<semaphore_mem>>) src(%dma_wait3A_211 : memref<1x128xi32, #tpu.memory_space<hbm>>) dst(%dma_wait3A_207 : memref<1x128xi32, #tpu.memory_space<vmem>>)
        %dma_start3A_212 = arith.constant 1 : i32
        %dma_start3A_213 = arith.constant 0 : i32
        %dma_start3A_214 = arith.constant 1 : i32
        %dma_start3A_215 = arith.constant 1 : i32
        %dma_start3A_216 = arith.constant 0 : i32
        %dma_start3A_217 = arith.constant 0 : i32
        %dma_start3A_218 = tpu.memref_slice %arg8[%dma_start3A_214, %dma_start3A_216, %dma_start3A_217] : memref<2x128x128xf32, #tpu.memory_space<vmem>> -> memref<1x128x128xf32, #tpu.memory_space<vmem>>
        %dma_start3A_219 = tpu.memref_squeeze %dma_start3A_218 : memref<1x128x128xf32, #tpu.memory_space<vmem>> -> memref<128x128xf32, #tpu.memory_space<vmem>>
        %dma_start3A_220 = arith.constant 0 : i32
        %dma_start3A_221 = tpu.memref_slice %arg6[%dma_start3A_212, %dma_start3A_213, %dma_start3A_220] : memref<2x1x128xi32, #tpu.memory_space<vmem>> -> memref<1x1x128xi32, #tpu.memory_space<vmem>>
        %dma_start3A_222 = tpu.memref_squeeze %dma_start3A_221 : memref<1x1x128xi32, #tpu.memory_space<vmem>> -> memref<128xi32, #tpu.memory_space<vmem>>
        %dma_start3A_223 = arith.constant 0 : i32
        %dma_start3A_224 = arith.constant 0 : i32
        %dma_start3A_225 = tpu.memref_slice %arg2[%dma_start3A_223, %dma_start3A_224] : memref<10240x128xf32, #tpu.memory_space<hbm>> -> memref<10240x128xf32, #tpu.memory_space<hbm>>
        %dma_start3A_226 = tpu.memref_slice %arg11[%dma_start3A_215] : memref<2x!tpu.dma_semaphore, #tpu.memory_space<semaphore_mem>> -> memref<1x!tpu.dma_semaphore, #tpu.memory_space<semaphore_mem>>
        %dma_start3A_227 = tpu.memref_squeeze %dma_start3A_226 : memref<1x!tpu.dma_semaphore, #tpu.memory_space<semaphore_mem>> -> memref<!tpu.dma_semaphore, #tpu.memory_space<semaphore_mem>>
        tpu.enqueue_indirect_dma source(%dma_start3A_225 : memref<10240x128xf32, #tpu.memory_space<hbm>>) target(%dma_start3A_219 : memref<128x128xf32, #tpu.memory_space<vmem>>) offsets(%dma_start3A_222 : memref<128xi32, #tpu.memory_space<vmem>>) semaphore(%dma_start3A_227 : memref<!tpu.dma_semaphore, #tpu.memory_space<semaphore_mem>>)
        %dma_wait3A_228 = arith.constant 0 : i32
        %dma_wait3A_229 = arith.constant 0 : i32
        %dma_wait3A_230 = arith.constant 0 : i32
        %dma_wait3A_231 = arith.constant 0 : i32
        %dma_wait3A_232 = arith.constant 0 : i32
        %dma_wait3A_233 = arith.constant 0 : i32
        %dma_wait3A_234 = tpu.memref_slice %arg8[%dma_wait3A_230, %dma_wait3A_232, %dma_wait3A_233] : memref<2x128x128xf32, #tpu.memory_space<vmem>> -> memref<1x128x128xf32, #tpu.memory_space<vmem>>
        %dma_wait3A_235 = tpu.memref_squeeze %dma_wait3A_234 : memref<1x128x128xf32, #tpu.memory_space<vmem>> -> memref<128x128xf32, #tpu.memory_space<vmem>>
        %dma_wait3A_236 = arith.constant 0 : i32
        %dma_wait3A_237 = tpu.memref_slice %arg6[%dma_wait3A_228, %dma_wait3A_229, %dma_wait3A_236] : memref<2x1x128xi32, #tpu.memory_space<vmem>> -> memref<1x1x128xi32, #tpu.memory_space<vmem>>
        %dma_wait3A_238 = tpu.memref_squeeze %dma_wait3A_237 : memref<1x1x128xi32, #tpu.memory_space<vmem>> -> memref<128xi32, #tpu.memory_space<vmem>>
        %dma_wait3A_239 = arith.constant 0 : i32
        %dma_wait3A_240 = arith.constant 0 : i32
        %dma_wait3A_241 = tpu.memref_slice %arg2[%dma_wait3A_239, %dma_wait3A_240] : memref<10240x128xf32, #tpu.memory_space<hbm>> -> memref<10240x128xf32, #tpu.memory_space<hbm>>
        %dma_wait3A_242 = tpu.memref_slice %arg11[%dma_wait3A_231] : memref<2x!tpu.dma_semaphore, #tpu.memory_space<semaphore_mem>> -> memref<1x!tpu.dma_semaphore, #tpu.memory_space<semaphore_mem>>
        %dma_wait3A_243 = tpu.memref_squeeze %dma_wait3A_242 : memref<1x!tpu.dma_semaphore, #tpu.memory_space<semaphore_mem>> -> memref<!tpu.dma_semaphore, #tpu.memory_space<semaphore_mem>>
        tpu.wait_indirect_dma semaphore(%dma_wait3A_243 : memref<!tpu.dma_semaphore, #tpu.memory_space<semaphore_mem>>) src(%dma_wait3A_241 : memref<10240x128xf32, #tpu.memory_space<hbm>>) dst(%dma_wait3A_235 : memref<128x128xf32, #tpu.memory_space<vmem>>)
        %add3A_244 = arith.constant 0 : i32
        %add3A_245 = arith.addi %add3A_112, %add3A_244 : i32
        %add3A_246 = arith.constant 2 : i32
        %add3A_247 = arith.addi %add3A_245, %add3A_246 : i32
        %lt3A = arith.constant 132 : i32
        %lt3A_248 = arith.cmpi slt, %add3A_247, %lt3A : i32
        %convert_element_type3A_249 = arith.extui %lt3A_248 : i1 to i32
        %cond3A_250 = arith.constant 0 : i32
        %cond3A_251 = arith.cmpi ne, %convert_element_type3A_249, %cond3A_250 : i32
        scf.if %cond3A_251 {
          %add3A_300 = arith.constant 0 : i32
          %add3A_301 = arith.addi %add3A_112, %add3A_300 : i32
          %add3A_302 = arith.constant 2 : i32
          %add3A_303 = arith.addi %add3A_301, %add3A_302 : i32
          %dma_start3A_304 = arith.constant 0 : i32
          %dma_start3A_305 = arith.constant 0 : i32
          %dma_start3A_306 = arith.constant 0 : i32
          %dma_start3A_307 = arith.constant 0 : i32
          %dma_start3A_308 = tpu.memref_slice %arg6[%dma_start3A_304, %dma_start3A_306, %dma_start3A_307] : memref<2x1x128xi32, #tpu.memory_space<vmem>> -> memref<1x1x128xi32, #tpu.memory_space<vmem>>
          %dma_start3A_309 = tpu.memref_squeeze %dma_start3A_308 : memref<1x1x128xi32, #tpu.memory_space<vmem>> -> memref<1x128xi32, #tpu.memory_space<vmem>>
          %dma_start3A_310 = arith.constant 0 : i32
          %dma_start3A_311 = arith.constant 0 : i32
          %dma_start3A_312 = tpu.memref_slice %arg3[%arg1, %add3A_303, %dma_start3A_310, %dma_start3A_311] : memref<16x158x1x128xi32, #tpu.memory_space<hbm>> -> memref<1x1x1x128xi32, #tpu.memory_space<hbm>>
          %dma_start3A_313 = tpu.memref_squeeze %dma_start3A_312 : memref<1x1x1x128xi32, #tpu.memory_space<hbm>> -> memref<1x128xi32, #tpu.memory_space<hbm>>
          %dma_start3A_314 = tpu.memref_slice %arg9[%dma_start3A_305] : memref<2x!tpu.dma_semaphore, #tpu.memory_space<semaphore_mem>> -> memref<1x!tpu.dma_semaphore, #tpu.memory_space<semaphore_mem>>
          %dma_start3A_315 = tpu.memref_squeeze %dma_start3A_314 : memref<1x!tpu.dma_semaphore, #tpu.memory_space<semaphore_mem>> -> memref<!tpu.dma_semaphore, #tpu.memory_space<semaphore_mem>>
          %dma_start3A_316 = arith.constant 0 : i32
          %dma_start3A_317 = arith.constant 0 : i32
          %dma_start3A_318 = tpu.memref_slice %arg6[%dma_start3A_304, %dma_start3A_316, %dma_start3A_317] : memref<2x1x128xi32, #tpu.memory_space<vmem>> -> memref<1x1x128xi32, #tpu.memory_space<vmem>>
          %dma_start3A_319 = tpu.memref_squeeze %dma_start3A_318 : memref<1x1x128xi32, #tpu.memory_space<vmem>> -> memref<1x128xi32, #tpu.memory_space<vmem>>
          %dma_start3A_320 = arith.constant 0 : i32
          %dma_start3A_321 = arith.constant 0 : i32
          %dma_start3A_322 = tpu.memref_slice %arg3[%arg1, %add3A_303, %dma_start3A_320, %dma_start3A_321] : memref<16x158x1x128xi32, #tpu.memory_space<hbm>> -> memref<1x1x1x128xi32, #tpu.memory_space<hbm>>
          %dma_start3A_323 = tpu.memref_squeeze %dma_start3A_322 : memref<1x1x1x128xi32, #tpu.memory_space<hbm>> -> memref<1x128xi32, #tpu.memory_space<hbm>>
          tpu.enqueue_dma source(%dma_start3A_323 : memref<1x128xi32, #tpu.memory_space<hbm>>) target(%dma_start3A_319 : memref<1x128xi32, #tpu.memory_space<vmem>>) target_semaphore(%dma_start3A_315 : memref<!tpu.dma_semaphore, #tpu.memory_space<semaphore_mem>>)
        } else {
        }
        %run_scoped3A = arith.constant 0 : i32
        %run_scoped3A_252 = arith.constant 0 : i32
        %run_scoped3A_253 = arith.constant 0 : i32
        "tpu.region"() ({
          %run_scoped3A_300 = tpu.sem_alloc : memref<!tpu.dma_semaphore, #tpu.memory_space<semaphore_mem>>
          %dma_start3A_301 = arith.constant 0 : i32
          %dma_start3A_302 = arith.constant 0 : i32
          %dma_start3A_303 = tpu.memref_slice %arg8[%run_scoped3A, %dma_start3A_301, %dma_start3A_302] : memref<2x128x128xf32, #tpu.memory_space<vmem>> -> memref<1x128x128xf32, #tpu.memory_space<vmem>>
          %dma_start3A_304 = tpu.memref_squeeze %dma_start3A_303 : memref<1x128x128xf32, #tpu.memory_space<vmem>> -> memref<128x128xf32, #tpu.memory_space<vmem>>
          %dma_start3A_305 = arith.constant 0 : i32
          %dma_start3A_306 = tpu.memref_slice %arg7[%run_scoped3A_252, %run_scoped3A_253, %dma_start3A_305] : memref<2x1x128xi32, #tpu.memory_space<vmem>> -> memref<1x1x128xi32, #tpu.memory_space<vmem>>
          %dma_start3A_307 = tpu.memref_squeeze %dma_start3A_306 : memref<1x1x128xi32, #tpu.memory_space<vmem>> -> memref<128xi32, #tpu.memory_space<vmem>>
          %dma_start3A_308 = arith.constant 0 : i32
          %dma_start3A_309 = arith.constant 0 : i32
          %dma_start3A_310 = tpu.memref_slice %arg12[%dma_start3A_308, %dma_start3A_309] : memref<10240x128xf32, #tpu.memory_space<vmem_shared>> -> memref<10240x128xf32, #tpu.memory_space<vmem_shared>>
          tpu.enqueue_indirect_dma source(%dma_start3A_304 : memref<128x128xf32, #tpu.memory_space<vmem>>) target(%dma_start3A_310 : memref<10240x128xf32, #tpu.memory_space<vmem_shared>>) offsets(%dma_start3A_307 : memref<128xi32, #tpu.memory_space<vmem>>) semaphore(%run_scoped3A_300 : memref<!tpu.dma_semaphore, #tpu.memory_space<semaphore_mem>>) {add = true}
          %dma_wait3A_311 = arith.constant 0 : i32
          %dma_wait3A_312 = arith.constant 0 : i32
          %dma_wait3A_313 = tpu.memref_slice %arg8[%run_scoped3A, %dma_wait3A_311, %dma_wait3A_312] : memref<2x128x128xf32, #tpu.memory_space<vmem>> -> memref<1x128x128xf32, #tpu.memory_space<vmem>>
          %dma_wait3A_314 = tpu.memref_squeeze %dma_wait3A_313 : memref<1x128x128xf32, #tpu.memory_space<vmem>> -> memref<128x128xf32, #tpu.memory_space<vmem>>
          %dma_wait3A_315 = arith.constant 0 : i32
          %dma_wait3A_316 = tpu.memref_slice %arg7[%run_scoped3A_252, %run_scoped3A_253, %dma_wait3A_315] : memref<2x1x128xi32, #tpu.memory_space<vmem>> -> memref<1x1x128xi32, #tpu.memory_space<vmem>>
          %dma_wait3A_317 = tpu.memref_squeeze %dma_wait3A_316 : memref<1x1x128xi32, #tpu.memory_space<vmem>> -> memref<128xi32, #tpu.memory_space<vmem>>
          %dma_wait3A_318 = arith.constant 0 : i32
          %dma_wait3A_319 = arith.constant 0 : i32
          %dma_wait3A_320 = tpu.memref_slice %arg12[%dma_wait3A_318, %dma_wait3A_319] : memref<10240x128xf32, #tpu.memory_space<vmem_shared>> -> memref<10240x128xf32, #tpu.memory_space<vmem_shared>>
          tpu.wait_indirect_dma semaphore(%run_scoped3A_300 : memref<!tpu.dma_semaphore, #tpu.memory_space<semaphore_mem>>) src(%dma_wait3A_314 : memref<128x128xf32, #tpu.memory_space<vmem>>) dst(%dma_wait3A_320 : memref<10240x128xf32, #tpu.memory_space<vmem_shared>>)
          tpu.yield
        }) : () -> ()
        %add3A_254 = arith.constant 0 : i32
        %add3A_255 = arith.addi %add3A_112, %add3A_254 : i32
        %add3A_256 = arith.constant 2 : i32
        %add3A_257 = arith.addi %add3A_255, %add3A_256 : i32
        %lt3A_258 = arith.constant 132 : i32
        %lt3A_259 = arith.cmpi slt, %add3A_257, %lt3A_258 : i32
        %convert_element_type3A_260 = arith.extui %lt3A_259 : i1 to i32
        %cond3A_261 = arith.constant 0 : i32
        %cond3A_262 = arith.cmpi ne, %convert_element_type3A_260, %cond3A_261 : i32
        scf.if %cond3A_262 {
          %add3A_300 = arith.constant 0 : i32
          %add3A_301 = arith.addi %add3A_112, %add3A_300 : i32
          %add3A_302 = arith.constant 2 : i32
          %add3A_303 = arith.addi %add3A_301, %add3A_302 : i32
          %dma_start3A_304 = arith.constant 0 : i32
          %dma_start3A_305 = arith.constant 0 : i32
          %dma_start3A_306 = arith.constant 0 : i32
          %dma_start3A_307 = arith.constant 0 : i32
          %dma_start3A_308 = tpu.memref_slice %arg7[%dma_start3A_304, %dma_start3A_306, %dma_start3A_307] : memref<2x1x128xi32, #tpu.memory_space<vmem>> -> memref<1x1x128xi32, #tpu.memory_space<vmem>>
          %dma_start3A_309 = tpu.memref_squeeze %dma_start3A_308 : memref<1x1x128xi32, #tpu.memory_space<vmem>> -> memref<1x128xi32, #tpu.memory_space<vmem>>
          %dma_start3A_310 = arith.constant 0 : i32
          %dma_start3A_311 = arith.constant 0 : i32
          %dma_start3A_312 = tpu.memref_slice %arg4[%arg1, %add3A_303, %dma_start3A_310, %dma_start3A_311] : memref<16x158x1x128xi32, #tpu.memory_space<hbm>> -> memref<1x1x1x128xi32, #tpu.memory_space<hbm>>
          %dma_start3A_313 = tpu.memref_squeeze %dma_start3A_312 : memref<1x1x1x128xi32, #tpu.memory_space<hbm>> -> memref<1x128xi32, #tpu.memory_space<hbm>>
          %dma_start3A_314 = tpu.memref_slice %arg10[%dma_start3A_305] : memref<2x!tpu.dma_semaphore, #tpu.memory_space<semaphore_mem>> -> memref<1x!tpu.dma_semaphore, #tpu.memory_space<semaphore_mem>>
          %dma_start3A_315 = tpu.memref_squeeze %dma_start3A_314 : memref<1x!tpu.dma_semaphore, #tpu.memory_space<semaphore_mem>> -> memref<!tpu.dma_semaphore, #tpu.memory_space<semaphore_mem>>
          %dma_start3A_316 = arith.constant 0 : i32
          %dma_start3A_317 = arith.constant 0 : i32
          %dma_start3A_318 = tpu.memref_slice %arg7[%dma_start3A_304, %dma_start3A_316, %dma_start3A_317] : memref<2x1x128xi32, #tpu.memory_space<vmem>> -> memref<1x1x128xi32, #tpu.memory_space<vmem>>
          %dma_start3A_319 = tpu.memref_squeeze %dma_start3A_318 : memref<1x1x128xi32, #tpu.memory_space<vmem>> -> memref<1x128xi32, #tpu.memory_space<vmem>>
          %dma_start3A_320 = arith.constant 0 : i32
          %dma_start3A_321 = arith.constant 0 : i32
          %dma_start3A_322 = tpu.memref_slice %arg4[%arg1, %add3A_303, %dma_start3A_320, %dma_start3A_321] : memref<16x158x1x128xi32, #tpu.memory_space<hbm>> -> memref<1x1x1x128xi32, #tpu.memory_space<hbm>>
          %dma_start3A_323 = tpu.memref_squeeze %dma_start3A_322 : memref<1x1x1x128xi32, #tpu.memory_space<hbm>> -> memref<1x128xi32, #tpu.memory_space<hbm>>
          tpu.enqueue_dma source(%dma_start3A_323 : memref<1x128xi32, #tpu.memory_space<hbm>>) target(%dma_start3A_319 : memref<1x128xi32, #tpu.memory_space<vmem>>) target_semaphore(%dma_start3A_315 : memref<!tpu.dma_semaphore, #tpu.memory_space<semaphore_mem>>)
        } else {
        }
        %dma_wait3A_263 = arith.constant 1 : i32
        %dma_wait3A_264 = arith.constant 0 : i32
        %dma_wait3A_265 = arith.constant 1 : i32
        %dma_wait3A_266 = arith.constant 1 : i32
        %dma_wait3A_267 = arith.constant 0 : i32
        %dma_wait3A_268 = arith.constant 0 : i32
        %dma_wait3A_269 = tpu.memref_slice %arg8[%dma_wait3A_265, %dma_wait3A_267, %dma_wait3A_268] : memref<2x128x128xf32, #tpu.memory_space<vmem>> -> memref<1x128x128xf32, #tpu.memory_space<vmem>>
        %dma_wait3A_270 = tpu.memref_squeeze %dma_wait3A_269 : memref<1x128x128xf32, #tpu.memory_space<vmem>> -> memref<128x128xf32, #tpu.memory_space<vmem>>
        %dma_wait3A_271 = arith.constant 0 : i32
        %dma_wait3A_272 = tpu.memref_slice %arg6[%dma_wait3A_263, %dma_wait3A_264, %dma_wait3A_271] : memref<2x1x128xi32, #tpu.memory_space<vmem>> -> memref<1x1x128xi32, #tpu.memory_space<vmem>>
        %dma_wait3A_273 = tpu.memref_squeeze %dma_wait3A_272 : memref<1x1x128xi32, #tpu.memory_space<vmem>> -> memref<128xi32, #tpu.memory_space<vmem>>
        %dma_wait3A_274 = arith.constant 0 : i32
        %dma_wait3A_275 = arith.constant 0 : i32
        %dma_wait3A_276 = tpu.memref_slice %arg2[%dma_wait3A_274, %dma_wait3A_275] : memref<10240x128xf32, #tpu.memory_space<hbm>> -> memref<10240x128xf32, #tpu.memory_space<hbm>>
        %dma_wait3A_277 = tpu.memref_slice %arg11[%dma_wait3A_266] : memref<2x!tpu.dma_semaphore, #tpu.memory_space<semaphore_mem>> -> memref<1x!tpu.dma_semaphore, #tpu.memory_space<semaphore_mem>>
        %dma_wait3A_278 = tpu.memref_squeeze %dma_wait3A_277 : memref<1x!tpu.dma_semaphore, #tpu.memory_space<semaphore_mem>> -> memref<!tpu.dma_semaphore, #tpu.memory_space<semaphore_mem>>
        tpu.wait_indirect_dma semaphore(%dma_wait3A_278 : memref<!tpu.dma_semaphore, #tpu.memory_space<semaphore_mem>>) src(%dma_wait3A_276 : memref<10240x128xf32, #tpu.memory_space<hbm>>) dst(%dma_wait3A_270 : memref<128x128xf32, #tpu.memory_space<vmem>>)
        %add3A_279 = arith.constant 1 : i32
        %add3A_280 = arith.addi %add3A_112, %add3A_279 : i32
        %add3A_281 = arith.constant 2 : i32
        %add3A_282 = arith.addi %add3A_280, %add3A_281 : i32
        %lt3A_283 = arith.constant 132 : i32
        %lt3A_284 = arith.cmpi slt, %add3A_282, %lt3A_283 : i32
        %convert_element_type3A_285 = arith.extui %lt3A_284 : i1 to i32
        %cond3A_286 = arith.constant 0 : i32
        %cond3A_287 = arith.cmpi ne, %convert_element_type3A_285, %cond3A_286 : i32
        scf.if %cond3A_287 {
          %add3A_300 = arith.constant 1 : i32
          %add3A_301 = arith.addi %add3A_112, %add3A_300 : i32
          %add3A_302 = arith.constant 2 : i32
          %add3A_303 = arith.addi %add3A_301, %add3A_302 : i32
          %dma_start3A_304 = arith.constant 1 : i32
          %dma_start3A_305 = arith.constant 1 : i32
          %dma_start3A_306 = arith.constant 0 : i32
          %dma_start3A_307 = arith.constant 0 : i32
          %dma_start3A_308 = tpu.memref_slice %arg6[%dma_start3A_304, %dma_start3A_306, %dma_start3A_307] : memref<2x1x128xi32, #tpu.memory_space<vmem>> -> memref<1x1x128xi32, #tpu.memory_space<vmem>>
          %dma_start3A_309 = tpu.memref_squeeze %dma_start3A_308 : memref<1x1x128xi32, #tpu.memory_space<vmem>> -> memref<1x128xi32, #tpu.memory_space<vmem>>
          %dma_start3A_310 = arith.constant 0 : i32
          %dma_start3A_311 = arith.constant 0 : i32
          %dma_start3A_312 = tpu.memref_slice %arg3[%arg1, %add3A_303, %dma_start3A_310, %dma_start3A_311] : memref<16x158x1x128xi32, #tpu.memory_space<hbm>> -> memref<1x1x1x128xi32, #tpu.memory_space<hbm>>
          %dma_start3A_313 = tpu.memref_squeeze %dma_start3A_312 : memref<1x1x1x128xi32, #tpu.memory_space<hbm>> -> memref<1x128xi32, #tpu.memory_space<hbm>>
          %dma_start3A_314 = tpu.memref_slice %arg9[%dma_start3A_305] : memref<2x!tpu.dma_semaphore, #tpu.memory_space<semaphore_mem>> -> memref<1x!tpu.dma_semaphore, #tpu.memory_space<semaphore_mem>>
          %dma_start3A_315 = tpu.memref_squeeze %dma_start3A_314 : memref<1x!tpu.dma_semaphore, #tpu.memory_space<semaphore_mem>> -> memref<!tpu.dma_semaphore, #tpu.memory_space<semaphore_mem>>
          %dma_start3A_316 = arith.constant 0 : i32
          %dma_start3A_317 = arith.constant 0 : i32
          %dma_start3A_318 = tpu.memref_slice %arg6[%dma_start3A_304, %dma_start3A_316, %dma_start3A_317] : memref<2x1x128xi32, #tpu.memory_space<vmem>> -> memref<1x1x128xi32, #tpu.memory_space<vmem>>
          %dma_start3A_319 = tpu.memref_squeeze %dma_start3A_318 : memref<1x1x128xi32, #tpu.memory_space<vmem>> -> memref<1x128xi32, #tpu.memory_space<vmem>>
          %dma_start3A_320 = arith.constant 0 : i32
          %dma_start3A_321 = arith.constant 0 : i32
          %dma_start3A_322 = tpu.memref_slice %arg3[%arg1, %add3A_303, %dma_start3A_320, %dma_start3A_321] : memref<16x158x1x128xi32, #tpu.memory_space<hbm>> -> memref<1x1x1x128xi32, #tpu.memory_space<hbm>>
          %dma_start3A_323 = tpu.memref_squeeze %dma_start3A_322 : memref<1x1x1x128xi32, #tpu.memory_space<hbm>> -> memref<1x128xi32, #tpu.memory_space<hbm>>
          tpu.enqueue_dma source(%dma_start3A_323 : memref<1x128xi32, #tpu.memory_space<hbm>>) target(%dma_start3A_319 : memref<1x128xi32, #tpu.memory_space<vmem>>) target_semaphore(%dma_start3A_315 : memref<!tpu.dma_semaphore, #tpu.memory_space<semaphore_mem>>)
        } else {
        }
        %run_scoped3A_288 = arith.constant 1 : i32
        %run_scoped3A_289 = arith.constant 1 : i32
        %run_scoped3A_290 = arith.constant 0 : i32
        "tpu.region"() ({
          %run_scoped3A_300 = tpu.sem_alloc : memref<!tpu.dma_semaphore, #tpu.memory_space<semaphore_mem>>
          %dma_start3A_301 = arith.constant 0 : i32
          %dma_start3A_302 = arith.constant 0 : i32
          %dma_start3A_303 = tpu.memref_slice %arg8[%run_scoped3A_288, %dma_start3A_301, %dma_start3A_302] : memref<2x128x128xf32, #tpu.memory_space<vmem>> -> memref<1x128x128xf32, #tpu.memory_space<vmem>>
          %dma_start3A_304 = tpu.memref_squeeze %dma_start3A_303 : memref<1x128x128xf32, #tpu.memory_space<vmem>> -> memref<128x128xf32, #tpu.memory_space<vmem>>
          %dma_start3A_305 = arith.constant 0 : i32
          %dma_start3A_306 = tpu.memref_slice %arg7[%run_scoped3A_289, %run_scoped3A_290, %dma_start3A_305] : memref<2x1x128xi32, #tpu.memory_space<vmem>> -> memref<1x1x128xi32, #tpu.memory_space<vmem>>
          %dma_start3A_307 = tpu.memref_squeeze %dma_start3A_306 : memref<1x1x128xi32, #tpu.memory_space<vmem>> -> memref<128xi32, #tpu.memory_space<vmem>>
          %dma_start3A_308 = arith.constant 0 : i32
          %dma_start3A_309 = arith.constant 0 : i32
          %dma_start3A_310 = tpu.memref_slice %arg12[%dma_start3A_308, %dma_start3A_309] : memref<10240x128xf32, #tpu.memory_space<vmem_shared>> -> memref<10240x128xf32, #tpu.memory_space<vmem_shared>>
          tpu.enqueue_indirect_dma source(%dma_start3A_304 : memref<128x128xf32, #tpu.memory_space<vmem>>) target(%dma_start3A_310 : memref<10240x128xf32, #tpu.memory_space<vmem_shared>>) offsets(%dma_start3A_307 : memref<128xi32, #tpu.memory_space<vmem>>) semaphore(%run_scoped3A_300 : memref<!tpu.dma_semaphore, #tpu.memory_space<semaphore_mem>>) {add = true}
          %dma_wait3A_311 = arith.constant 0 : i32
          %dma_wait3A_312 = arith.constant 0 : i32
          %dma_wait3A_313 = tpu.memref_slice %arg8[%run_scoped3A_288, %dma_wait3A_311, %dma_wait3A_312] : memref<2x128x128xf32, #tpu.memory_space<vmem>> -> memref<1x128x128xf32, #tpu.memory_space<vmem>>
          %dma_wait3A_314 = tpu.memref_squeeze %dma_wait3A_313 : memref<1x128x128xf32, #tpu.memory_space<vmem>> -> memref<128x128xf32, #tpu.memory_space<vmem>>
          %dma_wait3A_315 = arith.constant 0 : i32
          %dma_wait3A_316 = tpu.memref_slice %arg7[%run_scoped3A_289, %run_scoped3A_290, %dma_wait3A_315] : memref<2x1x128xi32, #tpu.memory_space<vmem>> -> memref<1x1x128xi32, #tpu.memory_space<vmem>>
          %dma_wait3A_317 = tpu.memref_squeeze %dma_wait3A_316 : memref<1x1x128xi32, #tpu.memory_space<vmem>> -> memref<128xi32, #tpu.memory_space<vmem>>
          %dma_wait3A_318 = arith.constant 0 : i32
          %dma_wait3A_319 = arith.constant 0 : i32
          %dma_wait3A_320 = tpu.memref_slice %arg12[%dma_wait3A_318, %dma_wait3A_319] : memref<10240x128xf32, #tpu.memory_space<vmem_shared>> -> memref<10240x128xf32, #tpu.memory_space<vmem_shared>>
          tpu.wait_indirect_dma semaphore(%run_scoped3A_300 : memref<!tpu.dma_semaphore, #tpu.memory_space<semaphore_mem>>) src(%dma_wait3A_314 : memref<128x128xf32, #tpu.memory_space<vmem>>) dst(%dma_wait3A_320 : memref<10240x128xf32, #tpu.memory_space<vmem_shared>>)
          tpu.yield
        }) : () -> ()
        %add3A_291 = arith.constant 1 : i32
        %add3A_292 = arith.addi %add3A_112, %add3A_291 : i32
        %add3A_293 = arith.constant 2 : i32
        %add3A_294 = arith.addi %add3A_292, %add3A_293 : i32
        %lt3A_295 = arith.constant 132 : i32
        %lt3A_296 = arith.cmpi slt, %add3A_294, %lt3A_295 : i32
        %convert_element_type3A_297 = arith.extui %lt3A_296 : i1 to i32
        %cond3A_298 = arith.constant 0 : i32
        %cond3A_299 = arith.cmpi ne, %convert_element_type3A_297, %cond3A_298 : i32
        scf.if %cond3A_299 {
          %add3A_300 = arith.constant 1 : i32
          %add3A_301 = arith.addi %add3A_112, %add3A_300 : i32
          %add3A_302 = arith.constant 2 : i32
          %add3A_303 = arith.addi %add3A_301, %add3A_302 : i32
          %dma_start3A_304 = arith.constant 1 : i32
          %dma_start3A_305 = arith.constant 1 : i32
          %dma_start3A_306 = arith.constant 0 : i32
          %dma_start3A_307 = arith.constant 0 : i32
          %dma_start3A_308 = tpu.memref_slice %arg7[%dma_start3A_304, %dma_start3A_306, %dma_start3A_307] : memref<2x1x128xi32, #tpu.memory_space<vmem>> -> memref<1x1x128xi32, #tpu.memory_space<vmem>>
          %dma_start3A_309 = tpu.memref_squeeze %dma_start3A_308 : memref<1x1x128xi32, #tpu.memory_space<vmem>> -> memref<1x128xi32, #tpu.memory_space<vmem>>
          %dma_start3A_310 = arith.constant 0 : i32
          %dma_start3A_311 = arith.constant 0 : i32
          %dma_start3A_312 = tpu.memref_slice %arg4[%arg1, %add3A_303, %dma_start3A_310, %dma_start3A_311] : memref<16x158x1x128xi32, #tpu.memory_space<hbm>> -> memref<1x1x1x128xi32, #tpu.memory_space<hbm>>
          %dma_start3A_313 = tpu.memref_squeeze %dma_start3A_312 : memref<1x1x1x128xi32, #tpu.memory_space<hbm>> -> memref<1x128xi32, #tpu.memory_space<hbm>>
          %dma_start3A_314 = tpu.memref_slice %arg10[%dma_start3A_305] : memref<2x!tpu.dma_semaphore, #tpu.memory_space<semaphore_mem>> -> memref<1x!tpu.dma_semaphore, #tpu.memory_space<semaphore_mem>>
          %dma_start3A_315 = tpu.memref_squeeze %dma_start3A_314 : memref<1x!tpu.dma_semaphore, #tpu.memory_space<semaphore_mem>> -> memref<!tpu.dma_semaphore, #tpu.memory_space<semaphore_mem>>
          %dma_start3A_316 = arith.constant 0 : i32
          %dma_start3A_317 = arith.constant 0 : i32
          %dma_start3A_318 = tpu.memref_slice %arg7[%dma_start3A_304, %dma_start3A_316, %dma_start3A_317] : memref<2x1x128xi32, #tpu.memory_space<vmem>> -> memref<1x1x128xi32, #tpu.memory_space<vmem>>
          %dma_start3A_319 = tpu.memref_squeeze %dma_start3A_318 : memref<1x1x128xi32, #tpu.memory_space<vmem>> -> memref<1x128xi32, #tpu.memory_space<vmem>>
          %dma_start3A_320 = arith.constant 0 : i32
          %dma_start3A_321 = arith.constant 0 : i32
          %dma_start3A_322 = tpu.memref_slice %arg4[%arg1, %add3A_303, %dma_start3A_320, %dma_start3A_321] : memref<16x158x1x128xi32, #tpu.memory_space<hbm>> -> memref<1x1x1x128xi32, #tpu.memory_space<hbm>>
          %dma_start3A_323 = tpu.memref_squeeze %dma_start3A_322 : memref<1x1x1x128xi32, #tpu.memory_space<hbm>> -> memref<1x128xi32, #tpu.memory_space<hbm>>
          tpu.enqueue_dma source(%dma_start3A_323 : memref<1x128xi32, #tpu.memory_space<hbm>>) target(%dma_start3A_319 : memref<1x128xi32, #tpu.memory_space<vmem>>) target_semaphore(%dma_start3A_315 : memref<!tpu.dma_semaphore, #tpu.memory_space<semaphore_mem>>)
        } else {
        }
      }
      %scan3A_108 = arith.constant 66 : i32
    } else {
    }
    %eq3A_12 = arith.constant 1 : i32
    %eq3A_13 = arith.cmpi eq, %arg0, %eq3A_12 : i32
    %convert_element_type3A_14 = arith.extui %eq3A_13 : i1 to i32
    %cond3A_15 = arith.constant 0 : i32
    %cond3A_16 = arith.cmpi ne, %convert_element_type3A_14, %cond3A_15 : i32
    scf.if %cond3A_16 {
      %dma_start3A = arith.constant 132 : i32
      %dma_start3A_21 = arith.constant 0 : i32
      %dma_start3A_22 = arith.constant 0 : i32
      %dma_start3A_23 = arith.constant 0 : i32
      %dma_start3A_24 = arith.constant 0 : i32
      %dma_start3A_25 = tpu.memref_slice %arg6[%dma_start3A_21, %dma_start3A_23, %dma_start3A_24] : memref<2x1x128xi32, #tpu.memory_space<vmem>> -> memref<1x1x128xi32, #tpu.memory_space<vmem>>
      %dma_start3A_26 = tpu.memref_squeeze %dma_start3A_25 : memref<1x1x128xi32, #tpu.memory_space<vmem>> -> memref<1x128xi32, #tpu.memory_space<vmem>>
      %dma_start3A_27 = arith.constant 0 : i32
      %dma_start3A_28 = arith.constant 0 : i32
      %dma_start3A_29 = tpu.memref_slice %arg3[%arg1, %dma_start3A, %dma_start3A_27, %dma_start3A_28] : memref<16x158x1x128xi32, #tpu.memory_space<hbm>> -> memref<1x1x1x128xi32, #tpu.memory_space<hbm>>
      %dma_start3A_30 = tpu.memref_squeeze %dma_start3A_29 : memref<1x1x1x128xi32, #tpu.memory_space<hbm>> -> memref<1x128xi32, #tpu.memory_space<hbm>>
      %dma_start3A_31 = tpu.memref_slice %arg9[%dma_start3A_22] : memref<2x!tpu.dma_semaphore, #tpu.memory_space<semaphore_mem>> -> memref<1x!tpu.dma_semaphore, #tpu.memory_space<semaphore_mem>>
      %dma_start3A_32 = tpu.memref_squeeze %dma_start3A_31 : memref<1x!tpu.dma_semaphore, #tpu.memory_space<semaphore_mem>> -> memref<!tpu.dma_semaphore, #tpu.memory_space<semaphore_mem>>
      %dma_start3A_33 = arith.constant 0 : i32
      %dma_start3A_34 = arith.constant 0 : i32
      %dma_start3A_35 = tpu.memref_slice %arg6[%dma_start3A_21, %dma_start3A_33, %dma_start3A_34] : memref<2x1x128xi32, #tpu.memory_space<vmem>> -> memref<1x1x128xi32, #tpu.memory_space<vmem>>
      %dma_start3A_36 = tpu.memref_squeeze %dma_start3A_35 : memref<1x1x128xi32, #tpu.memory_space<vmem>> -> memref<1x128xi32, #tpu.memory_space<vmem>>
      %dma_start3A_37 = arith.constant 0 : i32
      %dma_start3A_38 = arith.constant 0 : i32
      %dma_start3A_39 = tpu.memref_slice %arg3[%arg1, %dma_start3A, %dma_start3A_37, %dma_start3A_38] : memref<16x158x1x128xi32, #tpu.memory_space<hbm>> -> memref<1x1x1x128xi32, #tpu.memory_space<hbm>>
      %dma_start3A_40 = tpu.memref_squeeze %dma_start3A_39 : memref<1x1x1x128xi32, #tpu.memory_space<hbm>> -> memref<1x128xi32, #tpu.memory_space<hbm>>
      tpu.enqueue_dma source(%dma_start3A_40 : memref<1x128xi32, #tpu.memory_space<hbm>>) target(%dma_start3A_36 : memref<1x128xi32, #tpu.memory_space<vmem>>) target_semaphore(%dma_start3A_32 : memref<!tpu.dma_semaphore, #tpu.memory_space<semaphore_mem>>)
      %dma_start3A_41 = arith.constant 132 : i32
      %dma_start3A_42 = arith.constant 0 : i32
      %dma_start3A_43 = arith.constant 0 : i32
      %dma_start3A_44 = arith.constant 0 : i32
      %dma_start3A_45 = arith.constant 0 : i32
      %dma_start3A_46 = tpu.memref_slice %arg7[%dma_start3A_42, %dma_start3A_44, %dma_start3A_45] : memref<2x1x128xi32, #tpu.memory_space<vmem>> -> memref<1x1x128xi32, #tpu.memory_space<vmem>>
      %dma_start3A_47 = tpu.memref_squeeze %dma_start3A_46 : memref<1x1x128xi32, #tpu.memory_space<vmem>> -> memref<1x128xi32, #tpu.memory_space<vmem>>
      %dma_start3A_48 = arith.constant 0 : i32
      %dma_start3A_49 = arith.constant 0 : i32
      %dma_start3A_50 = tpu.memref_slice %arg4[%arg1, %dma_start3A_41, %dma_start3A_48, %dma_start3A_49] : memref<16x158x1x128xi32, #tpu.memory_space<hbm>> -> memref<1x1x1x128xi32, #tpu.memory_space<hbm>>
      %dma_start3A_51 = tpu.memref_squeeze %dma_start3A_50 : memref<1x1x1x128xi32, #tpu.memory_space<hbm>> -> memref<1x128xi32, #tpu.memory_space<hbm>>
      %dma_start3A_52 = tpu.memref_slice %arg10[%dma_start3A_43] : memref<2x!tpu.dma_semaphore, #tpu.memory_space<semaphore_mem>> -> memref<1x!tpu.dma_semaphore, #tpu.memory_space<semaphore_mem>>
      %dma_start3A_53 = tpu.memref_squeeze %dma_start3A_52 : memref<1x!tpu.dma_semaphore, #tpu.memory_space<semaphore_mem>> -> memref<!tpu.dma_semaphore, #tpu.memory_space<semaphore_mem>>
      %dma_start3A_54 = arith.constant 0 : i32
      %dma_start3A_55 = arith.constant 0 : i32
      %dma_start3A_56 = tpu.memref_slice %arg7[%dma_start3A_42, %dma_start3A_54, %dma_start3A_55] : memref<2x1x128xi32, #tpu.memory_space<vmem>> -> memref<1x1x128xi32, #tpu.memory_space<vmem>>
      %dma_start3A_57 = tpu.memref_squeeze %dma_start3A_56 : memref<1x1x128xi32, #tpu.memory_space<vmem>> -> memref<1x128xi32, #tpu.memory_space<vmem>>
      %dma_start3A_58 = arith.constant 0 : i32
      %dma_start3A_59 = arith.constant 0 : i32
      %dma_start3A_60 = tpu.memref_slice %arg4[%arg1, %dma_start3A_41, %dma_start3A_58, %dma_start3A_59] : memref<16x158x1x128xi32, #tpu.memory_space<hbm>> -> memref<1x1x1x128xi32, #tpu.memory_space<hbm>>
      %dma_start3A_61 = tpu.memref_squeeze %dma_start3A_60 : memref<1x1x1x128xi32, #tpu.memory_space<hbm>> -> memref<1x128xi32, #tpu.memory_space<hbm>>
      tpu.enqueue_dma source(%dma_start3A_61 : memref<1x128xi32, #tpu.memory_space<hbm>>) target(%dma_start3A_57 : memref<1x128xi32, #tpu.memory_space<vmem>>) target_semaphore(%dma_start3A_53 : memref<!tpu.dma_semaphore, #tpu.memory_space<semaphore_mem>>)
      %dma_start3A_62 = arith.constant 133 : i32
      %dma_start3A_63 = arith.constant 1 : i32
      %dma_start3A_64 = arith.constant 1 : i32
      %dma_start3A_65 = arith.constant 0 : i32
      %dma_start3A_66 = arith.constant 0 : i32
      %dma_start3A_67 = tpu.memref_slice %arg6[%dma_start3A_63, %dma_start3A_65, %dma_start3A_66] : memref<2x1x128xi32, #tpu.memory_space<vmem>> -> memref<1x1x128xi32, #tpu.memory_space<vmem>>
      %dma_start3A_68 = tpu.memref_squeeze %dma_start3A_67 : memref<1x1x128xi32, #tpu.memory_space<vmem>> -> memref<1x128xi32, #tpu.memory_space<vmem>>
      %dma_start3A_69 = arith.constant 0 : i32
      %dma_start3A_70 = arith.constant 0 : i32
      %dma_start3A_71 = tpu.memref_slice %arg3[%arg1, %dma_start3A_62, %dma_start3A_69, %dma_start3A_70] : memref<16x158x1x128xi32, #tpu.memory_space<hbm>> -> memref<1x1x1x128xi32, #tpu.memory_space<hbm>>
      %dma_start3A_72 = tpu.memref_squeeze %dma_start3A_71 : memref<1x1x1x128xi32, #tpu.memory_space<hbm>> -> memref<1x128xi32, #tpu.memory_space<hbm>>
      %dma_start3A_73 = tpu.memref_slice %arg9[%dma_start3A_64] : memref<2x!tpu.dma_semaphore, #tpu.memory_space<semaphore_mem>> -> memref<1x!tpu.dma_semaphore, #tpu.memory_space<semaphore_mem>>
      %dma_start3A_74 = tpu.memref_squeeze %dma_start3A_73 : memref<1x!tpu.dma_semaphore, #tpu.memory_space<semaphore_mem>> -> memref<!tpu.dma_semaphore, #tpu.memory_space<semaphore_mem>>
      %dma_start3A_75 = arith.constant 0 : i32
      %dma_start3A_76 = arith.constant 0 : i32
      %dma_start3A_77 = tpu.memref_slice %arg6[%dma_start3A_63, %dma_start3A_75, %dma_start3A_76] : memref<2x1x128xi32, #tpu.memory_space<vmem>> -> memref<1x1x128xi32, #tpu.memory_space<vmem>>
      %dma_start3A_78 = tpu.memref_squeeze %dma_start3A_77 : memref<1x1x128xi32, #tpu.memory_space<vmem>> -> memref<1x128xi32, #tpu.memory_space<vmem>>
      %dma_start3A_79 = arith.constant 0 : i32
      %dma_start3A_80 = arith.constant 0 : i32
      %dma_start3A_81 = tpu.memref_slice %arg3[%arg1, %dma_start3A_62, %dma_start3A_79, %dma_start3A_80] : memref<16x158x1x128xi32, #tpu.memory_space<hbm>> -> memref<1x1x1x128xi32, #tpu.memory_space<hbm>>
      %dma_start3A_82 = tpu.memref_squeeze %dma_start3A_81 : memref<1x1x1x128xi32, #tpu.memory_space<hbm>> -> memref<1x128xi32, #tpu.memory_space<hbm>>
      tpu.enqueue_dma source(%dma_start3A_82 : memref<1x128xi32, #tpu.memory_space<hbm>>) target(%dma_start3A_78 : memref<1x128xi32, #tpu.memory_space<vmem>>) target_semaphore(%dma_start3A_74 : memref<!tpu.dma_semaphore, #tpu.memory_space<semaphore_mem>>)
      %dma_start3A_83 = arith.constant 133 : i32
      %dma_start3A_84 = arith.constant 1 : i32
      %dma_start3A_85 = arith.constant 1 : i32
      %dma_start3A_86 = arith.constant 0 : i32
      %dma_start3A_87 = arith.constant 0 : i32
      %dma_start3A_88 = tpu.memref_slice %arg7[%dma_start3A_84, %dma_start3A_86, %dma_start3A_87] : memref<2x1x128xi32, #tpu.memory_space<vmem>> -> memref<1x1x128xi32, #tpu.memory_space<vmem>>
      %dma_start3A_89 = tpu.memref_squeeze %dma_start3A_88 : memref<1x1x128xi32, #tpu.memory_space<vmem>> -> memref<1x128xi32, #tpu.memory_space<vmem>>
      %dma_start3A_90 = arith.constant 0 : i32
      %dma_start3A_91 = arith.constant 0 : i32
      %dma_start3A_92 = tpu.memref_slice %arg4[%arg1, %dma_start3A_83, %dma_start3A_90, %dma_start3A_91] : memref<16x158x1x128xi32, #tpu.memory_space<hbm>> -> memref<1x1x1x128xi32, #tpu.memory_space<hbm>>
      %dma_start3A_93 = tpu.memref_squeeze %dma_start3A_92 : memref<1x1x1x128xi32, #tpu.memory_space<hbm>> -> memref<1x128xi32, #tpu.memory_space<hbm>>
      %dma_start3A_94 = tpu.memref_slice %arg10[%dma_start3A_85] : memref<2x!tpu.dma_semaphore, #tpu.memory_space<semaphore_mem>> -> memref<1x!tpu.dma_semaphore, #tpu.memory_space<semaphore_mem>>
      %dma_start3A_95 = tpu.memref_squeeze %dma_start3A_94 : memref<1x!tpu.dma_semaphore, #tpu.memory_space<semaphore_mem>> -> memref<!tpu.dma_semaphore, #tpu.memory_space<semaphore_mem>>
      %dma_start3A_96 = arith.constant 0 : i32
      %dma_start3A_97 = arith.constant 0 : i32
      %dma_start3A_98 = tpu.memref_slice %arg7[%dma_start3A_84, %dma_start3A_96, %dma_start3A_97] : memref<2x1x128xi32, #tpu.memory_space<vmem>> -> memref<1x1x128xi32, #tpu.memory_space<vmem>>
      %dma_start3A_99 = tpu.memref_squeeze %dma_start3A_98 : memref<1x1x128xi32, #tpu.memory_space<vmem>> -> memref<1x128xi32, #tpu.memory_space<vmem>>
      %dma_start3A_100 = arith.constant 0 : i32
      %dma_start3A_101 = arith.constant 0 : i32
      %dma_start3A_102 = tpu.memref_slice %arg4[%arg1, %dma_start3A_83, %dma_start3A_100, %dma_start3A_101] : memref<16x158x1x128xi32, #tpu.memory_space<hbm>> -> memref<1x1x1x128xi32, #tpu.memory_space<hbm>>
      %dma_start3A_103 = tpu.memref_squeeze %dma_start3A_102 : memref<1x1x1x128xi32, #tpu.memory_space<hbm>> -> memref<1x128xi32, #tpu.memory_space<hbm>>
      tpu.enqueue_dma source(%dma_start3A_103 : memref<1x128xi32, #tpu.memory_space<hbm>>) target(%dma_start3A_99 : memref<1x128xi32, #tpu.memory_space<vmem>>) target_semaphore(%dma_start3A_95 : memref<!tpu.dma_semaphore, #tpu.memory_space<semaphore_mem>>)
      %scan3A_104 = arith.constant 0 : i32
      %scan3A_105 = arith.constant 13 : i32
      %scan3A_106 = arith.addi %scan3A_104, %scan3A_105 : i32
      %scan3A_107 = arith.constant 1 : i32
      scf.for %scan3A_109 = %scan3A_104 to %scan3A_106 step %scan3A_107  : i32 {
        %mul3A_110 = arith.constant 2 : i32
        %mul3A_111 = arith.muli %scan3A_109, %mul3A_110 : i32
        %add3A = arith.constant 132 : i32
        %add3A_112 = arith.addi %add3A, %mul3A_111 : i32
        %dma_wait3A = arith.constant 0 : i32
        %dma_wait3A_113 = arith.constant 0 : i32
        %dma_wait3A_114 = arith.constant 0 : i32
        %dma_wait3A_115 = arith.constant 0 : i32
        %dma_wait3A_116 = arith.constant 0 : i32
        %dma_wait3A_117 = tpu.memref_slice %arg6[%dma_wait3A_113, %dma_wait3A_115, %dma_wait3A_116] : memref<2x1x128xi32, #tpu.memory_space<vmem>> -> memref<1x1x128xi32, #tpu.memory_space<vmem>>
        %dma_wait3A_118 = tpu.memref_squeeze %dma_wait3A_117 : memref<1x1x128xi32, #tpu.memory_space<vmem>> -> memref<1x128xi32, #tpu.memory_space<vmem>>
        %dma_wait3A_119 = arith.constant 0 : i32
        %dma_wait3A_120 = arith.constant 0 : i32
        %dma_wait3A_121 = tpu.memref_slice %arg3[%arg1, %dma_wait3A, %dma_wait3A_119, %dma_wait3A_120] : memref<16x158x1x128xi32, #tpu.memory_space<hbm>> -> memref<1x1x1x128xi32, #tpu.memory_space<hbm>>
        %dma_wait3A_122 = tpu.memref_squeeze %dma_wait3A_121 : memref<1x1x1x128xi32, #tpu.memory_space<hbm>> -> memref<1x128xi32, #tpu.memory_space<hbm>>
        %dma_wait3A_123 = tpu.memref_slice %arg9[%dma_wait3A_114] : memref<2x!tpu.dma_semaphore, #tpu.memory_space<semaphore_mem>> -> memref<1x!tpu.dma_semaphore, #tpu.memory_space<semaphore_mem>>
        %dma_wait3A_124 = tpu.memref_squeeze %dma_wait3A_123 : memref<1x!tpu.dma_semaphore, #tpu.memory_space<semaphore_mem>> -> memref<!tpu.dma_semaphore, #tpu.memory_space<semaphore_mem>>
        %dma_wait3A_125 = arith.constant 0 : i32
        %dma_wait3A_126 = arith.constant 0 : i32
        %dma_wait3A_127 = tpu.memref_slice %arg6[%dma_wait3A_113, %dma_wait3A_125, %dma_wait3A_126] : memref<2x1x128xi32, #tpu.memory_space<vmem>> -> memref<1x1x128xi32, #tpu.memory_space<vmem>>
        %dma_wait3A_128 = tpu.memref_squeeze %dma_wait3A_127 : memref<1x1x128xi32, #tpu.memory_space<vmem>> -> memref<1x128xi32, #tpu.memory_space<vmem>>
        %dma_wait3A_129 = arith.constant 0 : i32
        %dma_wait3A_130 = arith.constant 0 : i32
        %dma_wait3A_131 = tpu.memref_slice %arg3[%arg1, %dma_wait3A, %dma_wait3A_129, %dma_wait3A_130] : memref<16x158x1x128xi32, #tpu.memory_space<hbm>> -> memref<1x1x1x128xi32, #tpu.memory_space<hbm>>
        %dma_wait3A_132 = tpu.memref_squeeze %dma_wait3A_131 : memref<1x1x1x128xi32, #tpu.memory_space<hbm>> -> memref<1x128xi32, #tpu.memory_space<hbm>>
        tpu.wait_dma2 semaphore(%dma_wait3A_124 : memref<!tpu.dma_semaphore, #tpu.memory_space<semaphore_mem>>) src(%dma_wait3A_132 : memref<1x128xi32, #tpu.memory_space<hbm>>) dst(%dma_wait3A_128 : memref<1x128xi32, #tpu.memory_space<vmem>>)
        %dma_wait3A_133 = arith.constant 0 : i32
        %dma_wait3A_134 = arith.constant 0 : i32
        %dma_wait3A_135 = arith.constant 0 : i32
        %dma_wait3A_136 = arith.constant 0 : i32
        %dma_wait3A_137 = arith.constant 0 : i32
        %dma_wait3A_138 = tpu.memref_slice %arg7[%dma_wait3A_134, %dma_wait3A_136, %dma_wait3A_137] : memref<2x1x128xi32, #tpu.memory_space<vmem>> -> memref<1x1x128xi32, #tpu.memory_space<vmem>>
        %dma_wait3A_139 = tpu.memref_squeeze %dma_wait3A_138 : memref<1x1x128xi32, #tpu.memory_space<vmem>> -> memref<1x128xi32, #tpu.memory_space<vmem>>
        %dma_wait3A_140 = arith.constant 0 : i32
        %dma_wait3A_141 = arith.constant 0 : i32
        %dma_wait3A_142 = tpu.memref_slice %arg4[%arg1, %dma_wait3A_133, %dma_wait3A_140, %dma_wait3A_141] : memref<16x158x1x128xi32, #tpu.memory_space<hbm>> -> memref<1x1x1x128xi32, #tpu.memory_space<hbm>>
        %dma_wait3A_143 = tpu.memref_squeeze %dma_wait3A_142 : memref<1x1x1x128xi32, #tpu.memory_space<hbm>> -> memref<1x128xi32, #tpu.memory_space<hbm>>
        %dma_wait3A_144 = tpu.memref_slice %arg10[%dma_wait3A_135] : memref<2x!tpu.dma_semaphore, #tpu.memory_space<semaphore_mem>> -> memref<1x!tpu.dma_semaphore, #tpu.memory_space<semaphore_mem>>
        %dma_wait3A_145 = tpu.memref_squeeze %dma_wait3A_144 : memref<1x!tpu.dma_semaphore, #tpu.memory_space<semaphore_mem>> -> memref<!tpu.dma_semaphore, #tpu.memory_space<semaphore_mem>>
        %dma_wait3A_146 = arith.constant 0 : i32
        %dma_wait3A_147 = arith.constant 0 : i32
        %dma_wait3A_148 = tpu.memref_slice %arg7[%dma_wait3A_134, %dma_wait3A_146, %dma_wait3A_147] : memref<2x1x128xi32, #tpu.memory_space<vmem>> -> memref<1x1x128xi32, #tpu.memory_space<vmem>>
        %dma_wait3A_149 = tpu.memref_squeeze %dma_wait3A_148 : memref<1x1x128xi32, #tpu.memory_space<vmem>> -> memref<1x128xi32, #tpu.memory_space<vmem>>
        %dma_wait3A_150 = arith.constant 0 : i32
        %dma_wait3A_151 = arith.constant 0 : i32
        %dma_wait3A_152 = tpu.memref_slice %arg4[%arg1, %dma_wait3A_133, %dma_wait3A_150, %dma_wait3A_151] : memref<16x158x1x128xi32, #tpu.memory_space<hbm>> -> memref<1x1x1x128xi32, #tpu.memory_space<hbm>>
        %dma_wait3A_153 = tpu.memref_squeeze %dma_wait3A_152 : memref<1x1x1x128xi32, #tpu.memory_space<hbm>> -> memref<1x128xi32, #tpu.memory_space<hbm>>
        tpu.wait_dma2 semaphore(%dma_wait3A_145 : memref<!tpu.dma_semaphore, #tpu.memory_space<semaphore_mem>>) src(%dma_wait3A_153 : memref<1x128xi32, #tpu.memory_space<hbm>>) dst(%dma_wait3A_149 : memref<1x128xi32, #tpu.memory_space<vmem>>)
        %dma_start3A_154 = arith.constant 0 : i32
        %dma_start3A_155 = arith.constant 0 : i32
        %dma_start3A_156 = arith.constant 0 : i32
        %dma_start3A_157 = arith.constant 0 : i32
        %dma_start3A_158 = arith.constant 0 : i32
        %dma_start3A_159 = arith.constant 0 : i32
        %dma_start3A_160 = tpu.memref_slice %arg8[%dma_start3A_156, %dma_start3A_158, %dma_start3A_159] : memref<2x128x128xf32, #tpu.memory_space<vmem>> -> memref<1x128x128xf32, #tpu.memory_space<vmem>>
        %dma_start3A_161 = tpu.memref_squeeze %dma_start3A_160 : memref<1x128x128xf32, #tpu.memory_space<vmem>> -> memref<128x128xf32, #tpu.memory_space<vmem>>
        %dma_start3A_162 = arith.constant 0 : i32
        %dma_start3A_163 = tpu.memref_slice %arg6[%dma_start3A_154, %dma_start3A_155, %dma_start3A_162] : memref<2x1x128xi32, #tpu.memory_space<vmem>> -> memref<1x1x128xi32, #tpu.memory_space<vmem>>
        %dma_start3A_164 = tpu.memref_squeeze %dma_start3A_163 : memref<1x1x128xi32, #tpu.memory_space<vmem>> -> memref<128xi32, #tpu.memory_space<vmem>>
        %dma_start3A_165 = arith.constant 0 : i32
        %dma_start3A_166 = arith.constant 0 : i32
        %dma_start3A_167 = tpu.memref_slice %arg2[%dma_start3A_165, %dma_start3A_166] : memref<10240x128xf32, #tpu.memory_space<hbm>> -> memref<10240x128xf32, #tpu.memory_space<hbm>>
        %dma_start3A_168 = tpu.memref_slice %arg11[%dma_start3A_157] : memref<2x!tpu.dma_semaphore, #tpu.memory_space<semaphore_mem>> -> memref<1x!tpu.dma_semaphore, #tpu.memory_space<semaphore_mem>>
        %dma_start3A_169 = tpu.memref_squeeze %dma_start3A_168 : memref<1x!tpu.dma_semaphore, #tpu.memory_space<semaphore_mem>> -> memref<!tpu.dma_semaphore, #tpu.memory_space<semaphore_mem>>
        tpu.enqueue_indirect_dma source(%dma_start3A_167 : memref<10240x128xf32, #tpu.memory_space<hbm>>) target(%dma_start3A_161 : memref<128x128xf32, #tpu.memory_space<vmem>>) offsets(%dma_start3A_164 : memref<128xi32, #tpu.memory_space<vmem>>) semaphore(%dma_start3A_169 : memref<!tpu.dma_semaphore, #tpu.memory_space<semaphore_mem>>)
        %dma_wait3A_170 = arith.constant 0 : i32
        %dma_wait3A_171 = arith.constant 1 : i32
        %dma_wait3A_172 = arith.constant 1 : i32
        %dma_wait3A_173 = arith.constant 0 : i32
        %dma_wait3A_174 = arith.constant 0 : i32
        %dma_wait3A_175 = tpu.memref_slice %arg6[%dma_wait3A_171, %dma_wait3A_173, %dma_wait3A_174] : memref<2x1x128xi32, #tpu.memory_space<vmem>> -> memref<1x1x128xi32, #tpu.memory_space<vmem>>
        %dma_wait3A_176 = tpu.memref_squeeze %dma_wait3A_175 : memref<1x1x128xi32, #tpu.memory_space<vmem>> -> memref<1x128xi32, #tpu.memory_space<vmem>>
        %dma_wait3A_177 = arith.constant 0 : i32
        %dma_wait3A_178 = arith.constant 0 : i32
        %dma_wait3A_179 = tpu.memref_slice %arg3[%arg1, %dma_wait3A_170, %dma_wait3A_177, %dma_wait3A_178] : memref<16x158x1x128xi32, #tpu.memory_space<hbm>> -> memref<1x1x1x128xi32, #tpu.memory_space<hbm>>
        %dma_wait3A_180 = tpu.memref_squeeze %dma_wait3A_179 : memref<1x1x1x128xi32, #tpu.memory_space<hbm>> -> memref<1x128xi32, #tpu.memory_space<hbm>>
        %dma_wait3A_181 = tpu.memref_slice %arg9[%dma_wait3A_172] : memref<2x!tpu.dma_semaphore, #tpu.memory_space<semaphore_mem>> -> memref<1x!tpu.dma_semaphore, #tpu.memory_space<semaphore_mem>>
        %dma_wait3A_182 = tpu.memref_squeeze %dma_wait3A_181 : memref<1x!tpu.dma_semaphore, #tpu.memory_space<semaphore_mem>> -> memref<!tpu.dma_semaphore, #tpu.memory_space<semaphore_mem>>
        %dma_wait3A_183 = arith.constant 0 : i32
        %dma_wait3A_184 = arith.constant 0 : i32
        %dma_wait3A_185 = tpu.memref_slice %arg6[%dma_wait3A_171, %dma_wait3A_183, %dma_wait3A_184] : memref<2x1x128xi32, #tpu.memory_space<vmem>> -> memref<1x1x128xi32, #tpu.memory_space<vmem>>
        %dma_wait3A_186 = tpu.memref_squeeze %dma_wait3A_185 : memref<1x1x128xi32, #tpu.memory_space<vmem>> -> memref<1x128xi32, #tpu.memory_space<vmem>>
        %dma_wait3A_187 = arith.constant 0 : i32
        %dma_wait3A_188 = arith.constant 0 : i32
        %dma_wait3A_189 = tpu.memref_slice %arg3[%arg1, %dma_wait3A_170, %dma_wait3A_187, %dma_wait3A_188] : memref<16x158x1x128xi32, #tpu.memory_space<hbm>> -> memref<1x1x1x128xi32, #tpu.memory_space<hbm>>
        %dma_wait3A_190 = tpu.memref_squeeze %dma_wait3A_189 : memref<1x1x1x128xi32, #tpu.memory_space<hbm>> -> memref<1x128xi32, #tpu.memory_space<hbm>>
        tpu.wait_dma2 semaphore(%dma_wait3A_182 : memref<!tpu.dma_semaphore, #tpu.memory_space<semaphore_mem>>) src(%dma_wait3A_190 : memref<1x128xi32, #tpu.memory_space<hbm>>) dst(%dma_wait3A_186 : memref<1x128xi32, #tpu.memory_space<vmem>>)
        %dma_wait3A_191 = arith.constant 0 : i32
        %dma_wait3A_192 = arith.constant 1 : i32
        %dma_wait3A_193 = arith.constant 1 : i32
        %dma_wait3A_194 = arith.constant 0 : i32
        %dma_wait3A_195 = arith.constant 0 : i32
        %dma_wait3A_196 = tpu.memref_slice %arg7[%dma_wait3A_192, %dma_wait3A_194, %dma_wait3A_195] : memref<2x1x128xi32, #tpu.memory_space<vmem>> -> memref<1x1x128xi32, #tpu.memory_space<vmem>>
        %dma_wait3A_197 = tpu.memref_squeeze %dma_wait3A_196 : memref<1x1x128xi32, #tpu.memory_space<vmem>> -> memref<1x128xi32, #tpu.memory_space<vmem>>
        %dma_wait3A_198 = arith.constant 0 : i32
        %dma_wait3A_199 = arith.constant 0 : i32
        %dma_wait3A_200 = tpu.memref_slice %arg4[%arg1, %dma_wait3A_191, %dma_wait3A_198, %dma_wait3A_199] : memref<16x158x1x128xi32, #tpu.memory_space<hbm>> -> memref<1x1x1x128xi32, #tpu.memory_space<hbm>>
        %dma_wait3A_201 = tpu.memref_squeeze %dma_wait3A_200 : memref<1x1x1x128xi32, #tpu.memory_space<hbm>> -> memref<1x128xi32, #tpu.memory_space<hbm>>
        %dma_wait3A_202 = tpu.memref_slice %arg10[%dma_wait3A_193] : memref<2x!tpu.dma_semaphore, #tpu.memory_space<semaphore_mem>> -> memref<1x!tpu.dma_semaphore, #tpu.memory_space<semaphore_mem>>
        %dma_wait3A_203 = tpu.memref_squeeze %dma_wait3A_202 : memref<1x!tpu.dma_semaphore, #tpu.memory_space<semaphore_mem>> -> memref<!tpu.dma_semaphore, #tpu.memory_space<semaphore_mem>>
        %dma_wait3A_204 = arith.constant 0 : i32
        %dma_wait3A_205 = arith.constant 0 : i32
        %dma_wait3A_206 = tpu.memref_slice %arg7[%dma_wait3A_192, %dma_wait3A_204, %dma_wait3A_205] : memref<2x1x128xi32, #tpu.memory_space<vmem>> -> memref<1x1x128xi32, #tpu.memory_space<vmem>>
        %dma_wait3A_207 = tpu.memref_squeeze %dma_wait3A_206 : memref<1x1x128xi32, #tpu.memory_space<vmem>> -> memref<1x128xi32, #tpu.memory_space<vmem>>
        %dma_wait3A_208 = arith.constant 0 : i32
        %dma_wait3A_209 = arith.constant 0 : i32
        %dma_wait3A_210 = tpu.memref_slice %arg4[%arg1, %dma_wait3A_191, %dma_wait3A_208, %dma_wait3A_209] : memref<16x158x1x128xi32, #tpu.memory_space<hbm>> -> memref<1x1x1x128xi32, #tpu.memory_space<hbm>>
        %dma_wait3A_211 = tpu.memref_squeeze %dma_wait3A_210 : memref<1x1x1x128xi32, #tpu.memory_space<hbm>> -> memref<1x128xi32, #tpu.memory_space<hbm>>
        tpu.wait_dma2 semaphore(%dma_wait3A_203 : memref<!tpu.dma_semaphore, #tpu.memory_space<semaphore_mem>>) src(%dma_wait3A_211 : memref<1x128xi32, #tpu.memory_space<hbm>>) dst(%dma_wait3A_207 : memref<1x128xi32, #tpu.memory_space<vmem>>)
        %dma_start3A_212 = arith.constant 1 : i32
        %dma_start3A_213 = arith.constant 0 : i32
        %dma_start3A_214 = arith.constant 1 : i32
        %dma_start3A_215 = arith.constant 1 : i32
        %dma_start3A_216 = arith.constant 0 : i32
        %dma_start3A_217 = arith.constant 0 : i32
        %dma_start3A_218 = tpu.memref_slice %arg8[%dma_start3A_214, %dma_start3A_216, %dma_start3A_217] : memref<2x128x128xf32, #tpu.memory_space<vmem>> -> memref<1x128x128xf32, #tpu.memory_space<vmem>>
        %dma_start3A_219 = tpu.memref_squeeze %dma_start3A_218 : memref<1x128x128xf32, #tpu.memory_space<vmem>> -> memref<128x128xf32, #tpu.memory_space<vmem>>
        %dma_start3A_220 = arith.constant 0 : i32
        %dma_start3A_221 = tpu.memref_slice %arg6[%dma_start3A_212, %dma_start3A_213, %dma_start3A_220] : memref<2x1x128xi32, #tpu.memory_space<vmem>> -> memref<1x1x128xi32, #tpu.memory_space<vmem>>
        %dma_start3A_222 = tpu.memref_squeeze %dma_start3A_221 : memref<1x1x128xi32, #tpu.memory_space<vmem>> -> memref<128xi32, #tpu.memory_space<vmem>>
        %dma_start3A_223 = arith.constant 0 : i32
        %dma_start3A_224 = arith.constant 0 : i32
        %dma_start3A_225 = tpu.memref_slice %arg2[%dma_start3A_223, %dma_start3A_224] : memref<10240x128xf32, #tpu.memory_space<hbm>> -> memref<10240x128xf32, #tpu.memory_space<hbm>>
        %dma_start3A_226 = tpu.memref_slice %arg11[%dma_start3A_215] : memref<2x!tpu.dma_semaphore, #tpu.memory_space<semaphore_mem>> -> memref<1x!tpu.dma_semaphore, #tpu.memory_space<semaphore_mem>>
        %dma_start3A_227 = tpu.memref_squeeze %dma_start3A_226 : memref<1x!tpu.dma_semaphore, #tpu.memory_space<semaphore_mem>> -> memref<!tpu.dma_semaphore, #tpu.memory_space<semaphore_mem>>
        tpu.enqueue_indirect_dma source(%dma_start3A_225 : memref<10240x128xf32, #tpu.memory_space<hbm>>) target(%dma_start3A_219 : memref<128x128xf32, #tpu.memory_space<vmem>>) offsets(%dma_start3A_222 : memref<128xi32, #tpu.memory_space<vmem>>) semaphore(%dma_start3A_227 : memref<!tpu.dma_semaphore, #tpu.memory_space<semaphore_mem>>)
        %dma_wait3A_228 = arith.constant 0 : i32
        %dma_wait3A_229 = arith.constant 0 : i32
        %dma_wait3A_230 = arith.constant 0 : i32
        %dma_wait3A_231 = arith.constant 0 : i32
        %dma_wait3A_232 = arith.constant 0 : i32
        %dma_wait3A_233 = arith.constant 0 : i32
        %dma_wait3A_234 = tpu.memref_slice %arg8[%dma_wait3A_230, %dma_wait3A_232, %dma_wait3A_233] : memref<2x128x128xf32, #tpu.memory_space<vmem>> -> memref<1x128x128xf32, #tpu.memory_space<vmem>>
        %dma_wait3A_235 = tpu.memref_squeeze %dma_wait3A_234 : memref<1x128x128xf32, #tpu.memory_space<vmem>> -> memref<128x128xf32, #tpu.memory_space<vmem>>
        %dma_wait3A_236 = arith.constant 0 : i32
        %dma_wait3A_237 = tpu.memref_slice %arg6[%dma_wait3A_228, %dma_wait3A_229, %dma_wait3A_236] : memref<2x1x128xi32, #tpu.memory_space<vmem>> -> memref<1x1x128xi32, #tpu.memory_space<vmem>>
        %dma_wait3A_238 = tpu.memref_squeeze %dma_wait3A_237 : memref<1x1x128xi32, #tpu.memory_space<vmem>> -> memref<128xi32, #tpu.memory_space<vmem>>
        %dma_wait3A_239 = arith.constant 0 : i32
        %dma_wait3A_240 = arith.constant 0 : i32
        %dma_wait3A_241 = tpu.memref_slice %arg2[%dma_wait3A_239, %dma_wait3A_240] : memref<10240x128xf32, #tpu.memory_space<hbm>> -> memref<10240x128xf32, #tpu.memory_space<hbm>>
        %dma_wait3A_242 = tpu.memref_slice %arg11[%dma_wait3A_231] : memref<2x!tpu.dma_semaphore, #tpu.memory_space<semaphore_mem>> -> memref<1x!tpu.dma_semaphore, #tpu.memory_space<semaphore_mem>>
        %dma_wait3A_243 = tpu.memref_squeeze %dma_wait3A_242 : memref<1x!tpu.dma_semaphore, #tpu.memory_space<semaphore_mem>> -> memref<!tpu.dma_semaphore, #tpu.memory_space<semaphore_mem>>
        tpu.wait_indirect_dma semaphore(%dma_wait3A_243 : memref<!tpu.dma_semaphore, #tpu.memory_space<semaphore_mem>>) src(%dma_wait3A_241 : memref<10240x128xf32, #tpu.memory_space<hbm>>) dst(%dma_wait3A_235 : memref<128x128xf32, #tpu.memory_space<vmem>>)
        %add3A_244 = arith.constant 0 : i32
        %add3A_245 = arith.addi %add3A_112, %add3A_244 : i32
        %add3A_246 = arith.constant 2 : i32
        %add3A_247 = arith.addi %add3A_245, %add3A_246 : i32
        %lt3A = arith.constant 158 : i32
        %lt3A_248 = arith.cmpi slt, %add3A_247, %lt3A : i32
        %convert_element_type3A_249 = arith.extui %lt3A_248 : i1 to i32
        %cond3A_250 = arith.constant 0 : i32
        %cond3A_251 = arith.cmpi ne, %convert_element_type3A_249, %cond3A_250 : i32
        scf.if %cond3A_251 {
          %add3A_300 = arith.constant 0 : i32
          %add3A_301 = arith.addi %add3A_112, %add3A_300 : i32
          %add3A_302 = arith.constant 2 : i32
          %add3A_303 = arith.addi %add3A_301, %add3A_302 : i32
          %dma_start3A_304 = arith.constant 0 : i32
          %dma_start3A_305 = arith.constant 0 : i32
          %dma_start3A_306 = arith.constant 0 : i32
          %dma_start3A_307 = arith.constant 0 : i32
          %dma_start3A_308 = tpu.memref_slice %arg6[%dma_start3A_304, %dma_start3A_306, %dma_start3A_307] : memref<2x1x128xi32, #tpu.memory_space<vmem>> -> memref<1x1x128xi32, #tpu.memory_space<vmem>>
          %dma_start3A_309 = tpu.memref_squeeze %dma_start3A_308 : memref<1x1x128xi32, #tpu.memory_space<vmem>> -> memref<1x128xi32, #tpu.memory_space<vmem>>
          %dma_start3A_310 = arith.constant 0 : i32
          %dma_start3A_311 = arith.constant 0 : i32
          %dma_start3A_312 = tpu.memref_slice %arg3[%arg1, %add3A_303, %dma_start3A_310, %dma_start3A_311] : memref<16x158x1x128xi32, #tpu.memory_space<hbm>> -> memref<1x1x1x128xi32, #tpu.memory_space<hbm>>
          %dma_start3A_313 = tpu.memref_squeeze %dma_start3A_312 : memref<1x1x1x128xi32, #tpu.memory_space<hbm>> -> memref<1x128xi32, #tpu.memory_space<hbm>>
          %dma_start3A_314 = tpu.memref_slice %arg9[%dma_start3A_305] : memref<2x!tpu.dma_semaphore, #tpu.memory_space<semaphore_mem>> -> memref<1x!tpu.dma_semaphore, #tpu.memory_space<semaphore_mem>>
          %dma_start3A_315 = tpu.memref_squeeze %dma_start3A_314 : memref<1x!tpu.dma_semaphore, #tpu.memory_space<semaphore_mem>> -> memref<!tpu.dma_semaphore, #tpu.memory_space<semaphore_mem>>
          %dma_start3A_316 = arith.constant 0 : i32
          %dma_start3A_317 = arith.constant 0 : i32
          %dma_start3A_318 = tpu.memref_slice %arg6[%dma_start3A_304, %dma_start3A_316, %dma_start3A_317] : memref<2x1x128xi32, #tpu.memory_space<vmem>> -> memref<1x1x128xi32, #tpu.memory_space<vmem>>
          %dma_start3A_319 = tpu.memref_squeeze %dma_start3A_318 : memref<1x1x128xi32, #tpu.memory_space<vmem>> -> memref<1x128xi32, #tpu.memory_space<vmem>>
          %dma_start3A_320 = arith.constant 0 : i32
          %dma_start3A_321 = arith.constant 0 : i32
          %dma_start3A_322 = tpu.memref_slice %arg3[%arg1, %add3A_303, %dma_start3A_320, %dma_start3A_321] : memref<16x158x1x128xi32, #tpu.memory_space<hbm>> -> memref<1x1x1x128xi32, #tpu.memory_space<hbm>>
          %dma_start3A_323 = tpu.memref_squeeze %dma_start3A_322 : memref<1x1x1x128xi32, #tpu.memory_space<hbm>> -> memref<1x128xi32, #tpu.memory_space<hbm>>
          tpu.enqueue_dma source(%dma_start3A_323 : memref<1x128xi32, #tpu.memory_space<hbm>>) target(%dma_start3A_319 : memref<1x128xi32, #tpu.memory_space<vmem>>) target_semaphore(%dma_start3A_315 : memref<!tpu.dma_semaphore, #tpu.memory_space<semaphore_mem>>)
        } else {
        }
        %run_scoped3A = arith.constant 0 : i32
        %run_scoped3A_252 = arith.constant 0 : i32
        %run_scoped3A_253 = arith.constant 0 : i32
        "tpu.region"() ({
          %run_scoped3A_300 = tpu.sem_alloc : memref<!tpu.dma_semaphore, #tpu.memory_space<semaphore_mem>>
          %dma_start3A_301 = arith.constant 0 : i32
          %dma_start3A_302 = arith.constant 0 : i32
          %dma_start3A_303 = tpu.memref_slice %arg8[%run_scoped3A, %dma_start3A_301, %dma_start3A_302] : memref<2x128x128xf32, #tpu.memory_space<vmem>> -> memref<1x128x128xf32, #tpu.memory_space<vmem>>
          %dma_start3A_304 = tpu.memref_squeeze %dma_start3A_303 : memref<1x128x128xf32, #tpu.memory_space<vmem>> -> memref<128x128xf32, #tpu.memory_space<vmem>>
          %dma_start3A_305 = arith.constant 0 : i32
          %dma_start3A_306 = tpu.memref_slice %arg7[%run_scoped3A_252, %run_scoped3A_253, %dma_start3A_305] : memref<2x1x128xi32, #tpu.memory_space<vmem>> -> memref<1x1x128xi32, #tpu.memory_space<vmem>>
          %dma_start3A_307 = tpu.memref_squeeze %dma_start3A_306 : memref<1x1x128xi32, #tpu.memory_space<vmem>> -> memref<128xi32, #tpu.memory_space<vmem>>
          %dma_start3A_308 = arith.constant 0 : i32
          %dma_start3A_309 = arith.constant 0 : i32
          %dma_start3A_310 = tpu.memref_slice %arg12[%dma_start3A_308, %dma_start3A_309] : memref<10240x128xf32, #tpu.memory_space<vmem_shared>> -> memref<10240x128xf32, #tpu.memory_space<vmem_shared>>
          tpu.enqueue_indirect_dma source(%dma_start3A_304 : memref<128x128xf32, #tpu.memory_space<vmem>>) target(%dma_start3A_310 : memref<10240x128xf32, #tpu.memory_space<vmem_shared>>) offsets(%dma_start3A_307 : memref<128xi32, #tpu.memory_space<vmem>>) semaphore(%run_scoped3A_300 : memref<!tpu.dma_semaphore, #tpu.memory_space<semaphore_mem>>) {add = true}
          %dma_wait3A_311 = arith.constant 0 : i32
          %dma_wait3A_312 = arith.constant 0 : i32
          %dma_wait3A_313 = tpu.memref_slice %arg8[%run_scoped3A, %dma_wait3A_311, %dma_wait3A_312] : memref<2x128x128xf32, #tpu.memory_space<vmem>> -> memref<1x128x128xf32, #tpu.memory_space<vmem>>
          %dma_wait3A_314 = tpu.memref_squeeze %dma_wait3A_313 : memref<1x128x128xf32, #tpu.memory_space<vmem>> -> memref<128x128xf32, #tpu.memory_space<vmem>>
          %dma_wait3A_315 = arith.constant 0 : i32
          %dma_wait3A_316 = tpu.memref_slice %arg7[%run_scoped3A_252, %run_scoped3A_253, %dma_wait3A_315] : memref<2x1x128xi32, #tpu.memory_space<vmem>> -> memref<1x1x128xi32, #tpu.memory_space<vmem>>
          %dma_wait3A_317 = tpu.memref_squeeze %dma_wait3A_316 : memref<1x1x128xi32, #tpu.memory_space<vmem>> -> memref<128xi32, #tpu.memory_space<vmem>>
          %dma_wait3A_318 = arith.constant 0 : i32
          %dma_wait3A_319 = arith.constant 0 : i32
          %dma_wait3A_320 = tpu.memref_slice %arg12[%dma_wait3A_318, %dma_wait3A_319] : memref<10240x128xf32, #tpu.memory_space<vmem_shared>> -> memref<10240x128xf32, #tpu.memory_space<vmem_shared>>
          tpu.wait_indirect_dma semaphore(%run_scoped3A_300 : memref<!tpu.dma_semaphore, #tpu.memory_space<semaphore_mem>>) src(%dma_wait3A_314 : memref<128x128xf32, #tpu.memory_space<vmem>>) dst(%dma_wait3A_320 : memref<10240x128xf32, #tpu.memory_space<vmem_shared>>)
          tpu.yield
        }) : () -> ()
        %add3A_254 = arith.constant 0 : i32
        %add3A_255 = arith.addi %add3A_112, %add3A_254 : i32
        %add3A_256 = arith.constant 2 : i32
        %add3A_257 = arith.addi %add3A_255, %add3A_256 : i32
        %lt3A_258 = arith.constant 158 : i32
        %lt3A_259 = arith.cmpi slt, %add3A_257, %lt3A_258 : i32
        %convert_element_type3A_260 = arith.extui %lt3A_259 : i1 to i32
        %cond3A_261 = arith.constant 0 : i32
        %cond3A_262 = arith.cmpi ne, %convert_element_type3A_260, %cond3A_261 : i32
        scf.if %cond3A_262 {
          %add3A_300 = arith.constant 0 : i32
          %add3A_301 = arith.addi %add3A_112, %add3A_300 : i32
          %add3A_302 = arith.constant 2 : i32
          %add3A_303 = arith.addi %add3A_301, %add3A_302 : i32
          %dma_start3A_304 = arith.constant 0 : i32
          %dma_start3A_305 = arith.constant 0 : i32
          %dma_start3A_306 = arith.constant 0 : i32
          %dma_start3A_307 = arith.constant 0 : i32
          %dma_start3A_308 = tpu.memref_slice %arg7[%dma_start3A_304, %dma_start3A_306, %dma_start3A_307] : memref<2x1x128xi32, #tpu.memory_space<vmem>> -> memref<1x1x128xi32, #tpu.memory_space<vmem>>
          %dma_start3A_309 = tpu.memref_squeeze %dma_start3A_308 : memref<1x1x128xi32, #tpu.memory_space<vmem>> -> memref<1x128xi32, #tpu.memory_space<vmem>>
          %dma_start3A_310 = arith.constant 0 : i32
          %dma_start3A_311 = arith.constant 0 : i32
          %dma_start3A_312 = tpu.memref_slice %arg4[%arg1, %add3A_303, %dma_start3A_310, %dma_start3A_311] : memref<16x158x1x128xi32, #tpu.memory_space<hbm>> -> memref<1x1x1x128xi32, #tpu.memory_space<hbm>>
          %dma_start3A_313 = tpu.memref_squeeze %dma_start3A_312 : memref<1x1x1x128xi32, #tpu.memory_space<hbm>> -> memref<1x128xi32, #tpu.memory_space<hbm>>
          %dma_start3A_314 = tpu.memref_slice %arg10[%dma_start3A_305] : memref<2x!tpu.dma_semaphore, #tpu.memory_space<semaphore_mem>> -> memref<1x!tpu.dma_semaphore, #tpu.memory_space<semaphore_mem>>
          %dma_start3A_315 = tpu.memref_squeeze %dma_start3A_314 : memref<1x!tpu.dma_semaphore, #tpu.memory_space<semaphore_mem>> -> memref<!tpu.dma_semaphore, #tpu.memory_space<semaphore_mem>>
          %dma_start3A_316 = arith.constant 0 : i32
          %dma_start3A_317 = arith.constant 0 : i32
          %dma_start3A_318 = tpu.memref_slice %arg7[%dma_start3A_304, %dma_start3A_316, %dma_start3A_317] : memref<2x1x128xi32, #tpu.memory_space<vmem>> -> memref<1x1x128xi32, #tpu.memory_space<vmem>>
          %dma_start3A_319 = tpu.memref_squeeze %dma_start3A_318 : memref<1x1x128xi32, #tpu.memory_space<vmem>> -> memref<1x128xi32, #tpu.memory_space<vmem>>
          %dma_start3A_320 = arith.constant 0 : i32
          %dma_start3A_321 = arith.constant 0 : i32
          %dma_start3A_322 = tpu.memref_slice %arg4[%arg1, %add3A_303, %dma_start3A_320, %dma_start3A_321] : memref<16x158x1x128xi32, #tpu.memory_space<hbm>> -> memref<1x1x1x128xi32, #tpu.memory_space<hbm>>
          %dma_start3A_323 = tpu.memref_squeeze %dma_start3A_322 : memref<1x1x1x128xi32, #tpu.memory_space<hbm>> -> memref<1x128xi32, #tpu.memory_space<hbm>>
          tpu.enqueue_dma source(%dma_start3A_323 : memref<1x128xi32, #tpu.memory_space<hbm>>) target(%dma_start3A_319 : memref<1x128xi32, #tpu.memory_space<vmem>>) target_semaphore(%dma_start3A_315 : memref<!tpu.dma_semaphore, #tpu.memory_space<semaphore_mem>>)
        } else {
        }
        %dma_wait3A_263 = arith.constant 1 : i32
        %dma_wait3A_264 = arith.constant 0 : i32
        %dma_wait3A_265 = arith.constant 1 : i32
        %dma_wait3A_266 = arith.constant 1 : i32
        %dma_wait3A_267 = arith.constant 0 : i32
        %dma_wait3A_268 = arith.constant 0 : i32
        %dma_wait3A_269 = tpu.memref_slice %arg8[%dma_wait3A_265, %dma_wait3A_267, %dma_wait3A_268] : memref<2x128x128xf32, #tpu.memory_space<vmem>> -> memref<1x128x128xf32, #tpu.memory_space<vmem>>
        %dma_wait3A_270 = tpu.memref_squeeze %dma_wait3A_269 : memref<1x128x128xf32, #tpu.memory_space<vmem>> -> memref<128x128xf32, #tpu.memory_space<vmem>>
        %dma_wait3A_271 = arith.constant 0 : i32
        %dma_wait3A_272 = tpu.memref_slice %arg6[%dma_wait3A_263, %dma_wait3A_264, %dma_wait3A_271] : memref<2x1x128xi32, #tpu.memory_space<vmem>> -> memref<1x1x128xi32, #tpu.memory_space<vmem>>
        %dma_wait3A_273 = tpu.memref_squeeze %dma_wait3A_272 : memref<1x1x128xi32, #tpu.memory_space<vmem>> -> memref<128xi32, #tpu.memory_space<vmem>>
        %dma_wait3A_274 = arith.constant 0 : i32
        %dma_wait3A_275 = arith.constant 0 : i32
        %dma_wait3A_276 = tpu.memref_slice %arg2[%dma_wait3A_274, %dma_wait3A_275] : memref<10240x128xf32, #tpu.memory_space<hbm>> -> memref<10240x128xf32, #tpu.memory_space<hbm>>
        %dma_wait3A_277 = tpu.memref_slice %arg11[%dma_wait3A_266] : memref<2x!tpu.dma_semaphore, #tpu.memory_space<semaphore_mem>> -> memref<1x!tpu.dma_semaphore, #tpu.memory_space<semaphore_mem>>
        %dma_wait3A_278 = tpu.memref_squeeze %dma_wait3A_277 : memref<1x!tpu.dma_semaphore, #tpu.memory_space<semaphore_mem>> -> memref<!tpu.dma_semaphore, #tpu.memory_space<semaphore_mem>>
        tpu.wait_indirect_dma semaphore(%dma_wait3A_278 : memref<!tpu.dma_semaphore, #tpu.memory_space<semaphore_mem>>) src(%dma_wait3A_276 : memref<10240x128xf32, #tpu.memory_space<hbm>>) dst(%dma_wait3A_270 : memref<128x128xf32, #tpu.memory_space<vmem>>)
        %add3A_279 = arith.constant 1 : i32
        %add3A_280 = arith.addi %add3A_112, %add3A_279 : i32
        %add3A_281 = arith.constant 2 : i32
        %add3A_282 = arith.addi %add3A_280, %add3A_281 : i32
        %lt3A_283 = arith.constant 158 : i32
        %lt3A_284 = arith.cmpi slt, %add3A_282, %lt3A_283 : i32
        %convert_element_type3A_285 = arith.extui %lt3A_284 : i1 to i32
        %cond3A_286 = arith.constant 0 : i32
        %cond3A_287 = arith.cmpi ne, %convert_element_type3A_285, %cond3A_286 : i32
        scf.if %cond3A_287 {
          %add3A_300 = arith.constant 1 : i32
          %add3A_301 = arith.addi %add3A_112, %add3A_300 : i32
          %add3A_302 = arith.constant 2 : i32
          %add3A_303 = arith.addi %add3A_301, %add3A_302 : i32
          %dma_start3A_304 = arith.constant 1 : i32
          %dma_start3A_305 = arith.constant 1 : i32
          %dma_start3A_306 = arith.constant 0 : i32
          %dma_start3A_307 = arith.constant 0 : i32
          %dma_start3A_308 = tpu.memref_slice %arg6[%dma_start3A_304, %dma_start3A_306, %dma_start3A_307] : memref<2x1x128xi32, #tpu.memory_space<vmem>> -> memref<1x1x128xi32, #tpu.memory_space<vmem>>
          %dma_start3A_309 = tpu.memref_squeeze %dma_start3A_308 : memref<1x1x128xi32, #tpu.memory_space<vmem>> -> memref<1x128xi32, #tpu.memory_space<vmem>>
          %dma_start3A_310 = arith.constant 0 : i32
          %dma_start3A_311 = arith.constant 0 : i32
          %dma_start3A_312 = tpu.memref_slice %arg3[%arg1, %add3A_303, %dma_start3A_310, %dma_start3A_311] : memref<16x158x1x128xi32, #tpu.memory_space<hbm>> -> memref<1x1x1x128xi32, #tpu.memory_space<hbm>>
          %dma_start3A_313 = tpu.memref_squeeze %dma_start3A_312 : memref<1x1x1x128xi32, #tpu.memory_space<hbm>> -> memref<1x128xi32, #tpu.memory_space<hbm>>
          %dma_start3A_314 = tpu.memref_slice %arg9[%dma_start3A_305] : memref<2x!tpu.dma_semaphore, #tpu.memory_space<semaphore_mem>> -> memref<1x!tpu.dma_semaphore, #tpu.memory_space<semaphore_mem>>
          %dma_start3A_315 = tpu.memref_squeeze %dma_start3A_314 : memref<1x!tpu.dma_semaphore, #tpu.memory_space<semaphore_mem>> -> memref<!tpu.dma_semaphore, #tpu.memory_space<semaphore_mem>>
          %dma_start3A_316 = arith.constant 0 : i32
          %dma_start3A_317 = arith.constant 0 : i32
          %dma_start3A_318 = tpu.memref_slice %arg6[%dma_start3A_304, %dma_start3A_316, %dma_start3A_317] : memref<2x1x128xi32, #tpu.memory_space<vmem>> -> memref<1x1x128xi32, #tpu.memory_space<vmem>>
          %dma_start3A_319 = tpu.memref_squeeze %dma_start3A_318 : memref<1x1x128xi32, #tpu.memory_space<vmem>> -> memref<1x128xi32, #tpu.memory_space<vmem>>
          %dma_start3A_320 = arith.constant 0 : i32
          %dma_start3A_321 = arith.constant 0 : i32
          %dma_start3A_322 = tpu.memref_slice %arg3[%arg1, %add3A_303, %dma_start3A_320, %dma_start3A_321] : memref<16x158x1x128xi32, #tpu.memory_space<hbm>> -> memref<1x1x1x128xi32, #tpu.memory_space<hbm>>
          %dma_start3A_323 = tpu.memref_squeeze %dma_start3A_322 : memref<1x1x1x128xi32, #tpu.memory_space<hbm>> -> memref<1x128xi32, #tpu.memory_space<hbm>>
          tpu.enqueue_dma source(%dma_start3A_323 : memref<1x128xi32, #tpu.memory_space<hbm>>) target(%dma_start3A_319 : memref<1x128xi32, #tpu.memory_space<vmem>>) target_semaphore(%dma_start3A_315 : memref<!tpu.dma_semaphore, #tpu.memory_space<semaphore_mem>>)
        } else {
        }
        %run_scoped3A_288 = arith.constant 1 : i32
        %run_scoped3A_289 = arith.constant 1 : i32
        %run_scoped3A_290 = arith.constant 0 : i32
        "tpu.region"() ({
          %run_scoped3A_300 = tpu.sem_alloc : memref<!tpu.dma_semaphore, #tpu.memory_space<semaphore_mem>>
          %dma_start3A_301 = arith.constant 0 : i32
          %dma_start3A_302 = arith.constant 0 : i32
          %dma_start3A_303 = tpu.memref_slice %arg8[%run_scoped3A_288, %dma_start3A_301, %dma_start3A_302] : memref<2x128x128xf32, #tpu.memory_space<vmem>> -> memref<1x128x128xf32, #tpu.memory_space<vmem>>
          %dma_start3A_304 = tpu.memref_squeeze %dma_start3A_303 : memref<1x128x128xf32, #tpu.memory_space<vmem>> -> memref<128x128xf32, #tpu.memory_space<vmem>>
          %dma_start3A_305 = arith.constant 0 : i32
          %dma_start3A_306 = tpu.memref_slice %arg7[%run_scoped3A_289, %run_scoped3A_290, %dma_start3A_305] : memref<2x1x128xi32, #tpu.memory_space<vmem>> -> memref<1x1x128xi32, #tpu.memory_space<vmem>>
          %dma_start3A_307 = tpu.memref_squeeze %dma_start3A_306 : memref<1x1x128xi32, #tpu.memory_space<vmem>> -> memref<128xi32, #tpu.memory_space<vmem>>
          %dma_start3A_308 = arith.constant 0 : i32
          %dma_start3A_309 = arith.constant 0 : i32
          %dma_start3A_310 = tpu.memref_slice %arg12[%dma_start3A_308, %dma_start3A_309] : memref<10240x128xf32, #tpu.memory_space<vmem_shared>> -> memref<10240x128xf32, #tpu.memory_space<vmem_shared>>
          tpu.enqueue_indirect_dma source(%dma_start3A_304 : memref<128x128xf32, #tpu.memory_space<vmem>>) target(%dma_start3A_310 : memref<10240x128xf32, #tpu.memory_space<vmem_shared>>) offsets(%dma_start3A_307 : memref<128xi32, #tpu.memory_space<vmem>>) semaphore(%run_scoped3A_300 : memref<!tpu.dma_semaphore, #tpu.memory_space<semaphore_mem>>) {add = true}
          %dma_wait3A_311 = arith.constant 0 : i32
          %dma_wait3A_312 = arith.constant 0 : i32
          %dma_wait3A_313 = tpu.memref_slice %arg8[%run_scoped3A_288, %dma_wait3A_311, %dma_wait3A_312] : memref<2x128x128xf32, #tpu.memory_space<vmem>> -> memref<1x128x128xf32, #tpu.memory_space<vmem>>
          %dma_wait3A_314 = tpu.memref_squeeze %dma_wait3A_313 : memref<1x128x128xf32, #tpu.memory_space<vmem>> -> memref<128x128xf32, #tpu.memory_space<vmem>>
          %dma_wait3A_315 = arith.constant 0 : i32
          %dma_wait3A_316 = tpu.memref_slice %arg7[%run_scoped3A_289, %run_scoped3A_290, %dma_wait3A_315] : memref<2x1x128xi32, #tpu.memory_space<vmem>> -> memref<1x1x128xi32, #tpu.memory_space<vmem>>
          %dma_wait3A_317 = tpu.memref_squeeze %dma_wait3A_316 : memref<1x1x128xi32, #tpu.memory_space<vmem>> -> memref<128xi32, #tpu.memory_space<vmem>>
          %dma_wait3A_318 = arith.constant 0 : i32
          %dma_wait3A_319 = arith.constant 0 : i32
          %dma_wait3A_320 = tpu.memref_slice %arg12[%dma_wait3A_318, %dma_wait3A_319] : memref<10240x128xf32, #tpu.memory_space<vmem_shared>> -> memref<10240x128xf32, #tpu.memory_space<vmem_shared>>
          tpu.wait_indirect_dma semaphore(%run_scoped3A_300 : memref<!tpu.dma_semaphore, #tpu.memory_space<semaphore_mem>>) src(%dma_wait3A_314 : memref<128x128xf32, #tpu.memory_space<vmem>>) dst(%dma_wait3A_320 : memref<10240x128xf32, #tpu.memory_space<vmem_shared>>)
          tpu.yield
        }) : () -> ()
        %add3A_291 = arith.constant 1 : i32
        %add3A_292 = arith.addi %add3A_112, %add3A_291 : i32
        %add3A_293 = arith.constant 2 : i32
        %add3A_294 = arith.addi %add3A_292, %add3A_293 : i32
        %lt3A_295 = arith.constant 158 : i32
        %lt3A_296 = arith.cmpi slt, %add3A_294, %lt3A_295 : i32
        %convert_element_type3A_297 = arith.extui %lt3A_296 : i1 to i32
        %cond3A_298 = arith.constant 0 : i32
        %cond3A_299 = arith.cmpi ne, %convert_element_type3A_297, %cond3A_298 : i32
        scf.if %cond3A_299 {
          %add3A_300 = arith.constant 1 : i32
          %add3A_301 = arith.addi %add3A_112, %add3A_300 : i32
          %add3A_302 = arith.constant 2 : i32
          %add3A_303 = arith.addi %add3A_301, %add3A_302 : i32
          %dma_start3A_304 = arith.constant 1 : i32
          %dma_start3A_305 = arith.constant 1 : i32
          %dma_start3A_306 = arith.constant 0 : i32
          %dma_start3A_307 = arith.constant 0 : i32
          %dma_start3A_308 = tpu.memref_slice %arg7[%dma_start3A_304, %dma_start3A_306, %dma_start3A_307] : memref<2x1x128xi32, #tpu.memory_space<vmem>> -> memref<1x1x128xi32, #tpu.memory_space<vmem>>
          %dma_start3A_309 = tpu.memref_squeeze %dma_start3A_308 : memref<1x1x128xi32, #tpu.memory_space<vmem>> -> memref<1x128xi32, #tpu.memory_space<vmem>>
          %dma_start3A_310 = arith.constant 0 : i32
          %dma_start3A_311 = arith.constant 0 : i32
          %dma_start3A_312 = tpu.memref_slice %arg4[%arg1, %add3A_303, %dma_start3A_310, %dma_start3A_311] : memref<16x158x1x128xi32, #tpu.memory_space<hbm>> -> memref<1x1x1x128xi32, #tpu.memory_space<hbm>>
          %dma_start3A_313 = tpu.memref_squeeze %dma_start3A_312 : memref<1x1x1x128xi32, #tpu.memory_space<hbm>> -> memref<1x128xi32, #tpu.memory_space<hbm>>
          %dma_start3A_314 = tpu.memref_slice %arg10[%dma_start3A_305] : memref<2x!tpu.dma_semaphore, #tpu.memory_space<semaphore_mem>> -> memref<1x!tpu.dma_semaphore, #tpu.memory_space<semaphore_mem>>
          %dma_start3A_315 = tpu.memref_squeeze %dma_start3A_314 : memref<1x!tpu.dma_semaphore, #tpu.memory_space<semaphore_mem>> -> memref<!tpu.dma_semaphore, #tpu.memory_space<semaphore_mem>>
          %dma_start3A_316 = arith.constant 0 : i32
          %dma_start3A_317 = arith.constant 0 : i32
          %dma_start3A_318 = tpu.memref_slice %arg7[%dma_start3A_304, %dma_start3A_316, %dma_start3A_317] : memref<2x1x128xi32, #tpu.memory_space<vmem>> -> memref<1x1x128xi32, #tpu.memory_space<vmem>>
          %dma_start3A_319 = tpu.memref_squeeze %dma_start3A_318 : memref<1x1x128xi32, #tpu.memory_space<vmem>> -> memref<1x128xi32, #tpu.memory_space<vmem>>
          %dma_start3A_320 = arith.constant 0 : i32
          %dma_start3A_321 = arith.constant 0 : i32
          %dma_start3A_322 = tpu.memref_slice %arg4[%arg1, %add3A_303, %dma_start3A_320, %dma_start3A_321] : memref<16x158x1x128xi32, #tpu.memory_space<hbm>> -> memref<1x1x1x128xi32, #tpu.memory_space<hbm>>
          %dma_start3A_323 = tpu.memref_squeeze %dma_start3A_322 : memref<1x1x1x128xi32, #tpu.memory_space<hbm>> -> memref<1x128xi32, #tpu.memory_space<hbm>>
          tpu.enqueue_dma source(%dma_start3A_323 : memref<1x128xi32, #tpu.memory_space<hbm>>) target(%dma_start3A_319 : memref<1x128xi32, #tpu.memory_space<vmem>>) target_semaphore(%dma_start3A_315 : memref<!tpu.dma_semaphore, #tpu.memory_space<semaphore_mem>>)
        } else {
        }
      }
      %scan3A_108 = arith.constant 13 : i32
    } else {
    }
    %barrier3A_17 = arith.constant 0 : index
    tpu.barrier barrier_id(%barrier3A_17)
    %mul3A = arith.constant 640 : i32
    %mul3A_18 = arith.muli %arg1, %mul3A : i32
    %mul3A_19 = arith.constant 640 : i32
    %mul3A_20 = arith.muli %arg1, %mul3A_19 : i32
    "tpu.region"() ({
      %run_scoped3A = tpu.sem_alloc : memref<!tpu.dma_semaphore, #tpu.memory_space<semaphore_mem>>
      %dma_start3A = arith.constant 0 : i32
      %dma_start3A_21 = tpu.memref_slice %arg5[%arg0, %mul3A_20, %dma_start3A] : memref<2x10240x128xf32, #tpu.memory_space<hbm>> -> memref<1x640x128xf32, #tpu.memory_space<hbm>>
      %dma_start3A_22 = tpu.memref_squeeze %dma_start3A_21 : memref<1x640x128xf32, #tpu.memory_space<hbm>> -> memref<640x128xf32, #tpu.memory_space<hbm>>
      %dma_start3A_23 = arith.constant 0 : i32
      %dma_start3A_24 = tpu.memref_slice %arg12[%mul3A_18, %dma_start3A_23] : memref<10240x128xf32, #tpu.memory_space<vmem_shared>> -> memref<640x128xf32, #tpu.memory_space<vmem_shared>>
      tpu.enqueue_dma source(%dma_start3A_24 : memref<640x128xf32, #tpu.memory_space<vmem_shared>>) target(%dma_start3A_22 : memref<640x128xf32, #tpu.memory_space<hbm>>) target_semaphore(%run_scoped3A : memref<!tpu.dma_semaphore, #tpu.memory_space<semaphore_mem>>)
      %dma_wait3A = arith.constant 0 : i32
      %dma_wait3A_25 = tpu.memref_slice %arg5[%arg0, %mul3A_20, %dma_wait3A] : memref<2x10240x128xf32, #tpu.memory_space<hbm>> -> memref<1x640x128xf32, #tpu.memory_space<hbm>>
      %dma_wait3A_26 = tpu.memref_squeeze %dma_wait3A_25 : memref<1x640x128xf32, #tpu.memory_space<hbm>> -> memref<640x128xf32, #tpu.memory_space<hbm>>
      %dma_wait3A_27 = arith.constant 0 : i32
      %dma_wait3A_28 = tpu.memref_slice %arg12[%mul3A_18, %dma_wait3A_27] : memref<10240x128xf32, #tpu.memory_space<vmem_shared>> -> memref<640x128xf32, #tpu.memory_space<vmem_shared>>
      tpu.wait_dma2 semaphore(%run_scoped3A : memref<!tpu.dma_semaphore, #tpu.memory_space<semaphore_mem>>) src(%dma_wait3A_28 : memref<640x128xf32, #tpu.memory_space<vmem_shared>>) dst(%dma_wait3A_26 : memref<640x128xf32, #tpu.memory_space<hbm>>)
      tpu.yield
    }) : () -> ()
    return
  }
}

module attributes {stable_mosaic.version = 14 : i64} {
  func.func @body(%arg0: i32, %arg1: memref<1024x128xf32, #tpu.memory_space<vmem>>, %arg2: memref<128x128xf32, #tpu.memory_space<vmem>>, %arg3: memref<2x1024xf32, #tpu.memory_space<vmem>>, %arg4: memref<1024x128xf32, #tpu.memory_space<vmem>>) attributes {dimension_semantics = [#tpu.dimension_semantics<arbitrary>], iteration_bounds = array<i64: 10>, scalar_prefetch = 0 : i64, scratch_operands = 0 : i64, tpu.core_type = #tpu.core_type<tc>, window_params = [{transform_indices = @transform_0, window_bounds = array<i64: 1024, 128>}, {pipeline_mode = #tpu.pipeline_mode<synchronous>, transform_indices = @transform_1, window_bounds = array<i64: 128, 128>}, {transform_indices = @transform_2, window_bounds = array<i64: 2, 1024>}, {transform_indices = @transform_3, window_bounds = array<i64: 1024, 128>}]} {
    %get3A = arith.constant 0 : index
    %get3A_0 = arith.constant 0 : index
    %get3A_1 = vector.load %arg3[%get3A, %get3A_0] : memref<2x1024xf32, #tpu.memory_space<vmem>>, vector<2x1024xf32>
    %slice3A = vector.extract_strided_slice %get3A_1 {offsets = [0, 0], sizes = [1, 1024], strides = [1, 1]} : vector<2x1024xf32> to vector<1x1024xf32>
    %squeeze3A = vector.shape_cast %slice3A : vector<1x1024xf32> to vector<1024xf32>
    %slice3A_2 = vector.extract_strided_slice %get3A_1 {offsets = [1, 0], sizes = [1, 1024], strides = [1, 1]} : vector<2x1024xf32> to vector<1x1024xf32>
    %squeeze3A_3 = vector.shape_cast %slice3A_2 : vector<1x1024xf32> to vector<1024xf32>
    %add3A = arith.addf %squeeze3A, %squeeze3A_3 : vector<1024xf32>
    %add3A_4 = arith.constant 1.000000e+00 : f32
    %add3A_5 = vector.broadcast %add3A_4 : f32 to vector<1024xf32>
    %add3A_6 = arith.addf %add3A, %add3A_5 : vector<1024xf32>
    %rsqrt3A = math.rsqrt %add3A_6 : vector<1024xf32>
    %get3A_7 = arith.constant 0 : index
    %get3A_8 = arith.constant 0 : index
    %get3A_9 = vector.load %arg1[%get3A_7, %get3A_8] : memref<1024x128xf32, #tpu.memory_space<vmem>>, vector<1024x128xf32>
    %get3A_10 = arith.constant 0 : index
    %get3A_11 = arith.constant 0 : index
    %get3A_12 = vector.load %arg2[%get3A_10, %get3A_11] : memref<128x128xf32, #tpu.memory_space<vmem>>, vector<128x128xf32>
    %dot_general3A = arith.constant dense<0.000000e+00> : vector<1024x128xf32>
    %dot_general3A_13 = tpu.matmul %get3A_9, %get3A_12, %dot_general3A {dimension_numbers = #tpu.dot_dimension_numbers<[1], [0], [0], [1], [0, 0, 1, 1], [], []>, precision = #tpu.contract_precision<fp32>, transpose_lhs_hint = false} : vector<1024x128xf32>, vector<128x128xf32>, vector<1024x128xf32> -> vector<1024x128xf32>
    %broadcast_in_dim3A = vector.shape_cast %rsqrt3A : vector<1024xf32> to vector<1024x1xf32>
    %mul3A = vector.broadcast %broadcast_in_dim3A : vector<1024x1xf32> to vector<1024x128xf32>
    %mul3A_14 = arith.mulf %dot_general3A_13, %mul3A : vector<1024x128xf32>
    %swap3A = arith.constant 0 : index
    %swap3A_15 = arith.constant 0 : index
    %swap3A_16 = vector.load %arg4[%swap3A, %swap3A_15] : memref<1024x128xf32, #tpu.memory_space<vmem>>, vector<1024x128xf32>
    tpu.vector_store %arg4[%swap3A, %swap3A_15], %mul3A_14 {strides = array<i32>} : memref<1024x128xf32, #tpu.memory_space<vmem>>, vector<1024x128xf32>,
    return
  }
  func.func @transform_0(%arg0: i32) -> (i32, i32) {
    %c0_i32 = arith.constant 0 : i32
    %c0_i32_0 = arith.constant 0 : i32
    return %arg0, %c0_i32 : i32, i32
  }
  func.func @transform_1(%arg0: i32) -> (i32, i32) {
    %c0_i32 = arith.constant 0 : i32
    %c0_i32_0 = arith.constant 0 : i32
    %c0_i32_1 = arith.constant 0 : i32
    return %c0_i32, %c0_i32_0 : i32, i32
  }
  func.func @transform_2(%arg0: i32) -> (i32, i32) {
    %c0_i32 = arith.constant 0 : i32
    %c0_i32_0 = arith.constant 0 : i32
    return %c0_i32, %arg0 : i32, i32
  }
  func.func @transform_3(%arg0: i32) -> (i32, i32) {
    %c0_i32 = arith.constant 0 : i32
    %c0_i32_0 = arith.constant 0 : i32
    return %arg0, %c0_i32 : i32, i32
  }
}

module attributes {stable_mosaic.version = 14 : i64} {
  func.func @body(%arg0: i32, %arg1: memref<2x1024x128xf32, #tpu.memory_space<vmem>>, %arg2: memref<1024x128xf32, #tpu.memory_space<vmem>>, %arg3: memref<2x1024xf32, #tpu.memory_space<vmem>>, %arg4: memref<1x128xf32, #tpu.memory_space<vmem>>, %arg5: memref<1024x128xf32, #tpu.memory_space<vmem>>) attributes {dimension_semantics = [#tpu.dimension_semantics<arbitrary>], iteration_bounds = array<i64: 10>, scalar_prefetch = 0 : i64, scratch_operands = 0 : i64, tpu.core_type = #tpu.core_type<tc>, window_params = [{transform_indices = @transform_0, window_bounds = array<i64: 2, 1024, 128>}, {transform_indices = @transform_1, window_bounds = array<i64: 1024, 128>}, {transform_indices = @transform_2, window_bounds = array<i64: 2, 1024>}, {pipeline_mode = #tpu.pipeline_mode<synchronous>, transform_indices = @transform_3, window_bounds = array<i64: 1, 128>}, {transform_indices = @transform_4, window_bounds = array<i64: 1024, 128>}]} {
    %get3A = arith.constant 0 : index
    %get3A_0 = arith.constant 0 : index
    %get3A_1 = arith.constant 0 : index
    %get3A_2 = vector.load %arg1[%get3A, %get3A_0, %get3A_1] : memref<2x1024x128xf32, #tpu.memory_space<vmem>>, vector<2x1024x128xf32>
    %slice3A = vector.extract_strided_slice %get3A_2 {offsets = [0, 0, 0], sizes = [1, 1024, 128], strides = [1, 1, 1]} : vector<2x1024x128xf32> to vector<1x1024x128xf32>
    %squeeze3A = vector.shape_cast %slice3A : vector<1x1024x128xf32> to vector<1024x128xf32>
    %slice3A_3 = vector.extract_strided_slice %get3A_2 {offsets = [1, 0, 0], sizes = [1, 1024, 128], strides = [1, 1, 1]} : vector<2x1024x128xf32> to vector<1x1024x128xf32>
    %squeeze3A_4 = vector.shape_cast %slice3A_3 : vector<1x1024x128xf32> to vector<1024x128xf32>
    %add3A = arith.addf %squeeze3A, %squeeze3A_4 : vector<1024x128xf32>
    %get3A_5 = arith.constant 0 : index
    %get3A_6 = arith.constant 0 : index
    %get3A_7 = vector.load %arg2[%get3A_5, %get3A_6] : memref<1024x128xf32, #tpu.memory_space<vmem>>, vector<1024x128xf32>
    %add3A_8 = arith.addf %add3A, %get3A_7 : vector<1024x128xf32>
    %get3A_9 = arith.constant 0 : index
    %get3A_10 = arith.constant 0 : index
    %get3A_11 = vector.load %arg3[%get3A_9, %get3A_10] : memref<2x1024xf32, #tpu.memory_space<vmem>>, vector<2x1024xf32>
    %slice3A_12 = vector.extract_strided_slice %get3A_11 {offsets = [0, 0], sizes = [1, 1024], strides = [1, 1]} : vector<2x1024xf32> to vector<1x1024xf32>
    %squeeze3A_13 = vector.shape_cast %slice3A_12 : vector<1x1024xf32> to vector<1024xf32>
    %slice3A_14 = vector.extract_strided_slice %get3A_11 {offsets = [1, 0], sizes = [1, 1024], strides = [1, 1]} : vector<2x1024xf32> to vector<1x1024xf32>
    %squeeze3A_15 = vector.shape_cast %slice3A_14 : vector<1x1024xf32> to vector<1024xf32>
    %add3A_16 = arith.addf %squeeze3A_13, %squeeze3A_15 : vector<1024xf32>
    %add3A_17 = arith.constant 1.000000e+00 : f32
    %add3A_18 = vector.broadcast %add3A_17 : f32 to vector<1024xf32>
    %add3A_19 = arith.addf %add3A_16, %add3A_18 : vector<1024xf32>
    %rsqrt3A = math.rsqrt %add3A_19 : vector<1024xf32>
    %broadcast_in_dim3A = vector.shape_cast %rsqrt3A : vector<1024xf32> to vector<1024x1xf32>
    %mul3A = vector.broadcast %broadcast_in_dim3A : vector<1024x1xf32> to vector<1024x128xf32>
    %mul3A_20 = arith.mulf %add3A_8, %mul3A : vector<1024x128xf32>
    %get3A_21 = arith.constant 0 : index
    %get3A_22 = arith.constant 0 : index
    %get3A_23 = vector.load %arg4[%get3A_21, %get3A_22] : memref<1x128xf32, #tpu.memory_space<vmem>>, vector<1x128xf32>
    %add3A_24 = vector.broadcast %get3A_23 : vector<1x128xf32> to vector<1024x128xf32>
    %add3A_25 = arith.addf %mul3A_20, %add3A_24 : vector<1024x128xf32>
    %max3A = arith.constant 0.000000e+00 : f32
    %max3A_26 = vector.broadcast %max3A : f32 to vector<1024x128xf32>
    %max3A_27 = arith.maximumf %add3A_25, %max3A_26 : vector<1024x128xf32>
    %swap3A = arith.constant 0 : index
    %swap3A_28 = arith.constant 0 : index
    %swap3A_29 = vector.load %arg5[%swap3A, %swap3A_28] : memref<1024x128xf32, #tpu.memory_space<vmem>>, vector<1024x128xf32>
    tpu.vector_store %arg5[%swap3A, %swap3A_28], %max3A_27 {strides = array<i32>} : memref<1024x128xf32, #tpu.memory_space<vmem>>, vector<1024x128xf32>,
    return
  }
  func.func @transform_0(%arg0: i32) -> (i32, i32, i32) {
    %c0_i32 = arith.constant 0 : i32
    %c0_i32_0 = arith.constant 0 : i32
    %c0_i32_1 = arith.constant 0 : i32
    return %c0_i32, %arg0, %c0_i32_0 : i32, i32, i32
  }
  func.func @transform_1(%arg0: i32) -> (i32, i32) {
    %c0_i32 = arith.constant 0 : i32
    %c0_i32_0 = arith.constant 0 : i32
    return %arg0, %c0_i32 : i32, i32
  }
  func.func @transform_2(%arg0: i32) -> (i32, i32) {
    %c0_i32 = arith.constant 0 : i32
    %c0_i32_0 = arith.constant 0 : i32
    return %c0_i32, %arg0 : i32, i32
  }
  func.func @transform_3(%arg0: i32) -> (i32, i32) {
    %c0_i32 = arith.constant 0 : i32
    %c0_i32_0 = arith.constant 0 : i32
    %c0_i32_1 = arith.constant 0 : i32
    return %c0_i32, %c0_i32_0 : i32, i32
  }
  func.func @transform_4(%arg0: i32) -> (i32, i32) {
    %c0_i32 = arith.constant 0 : i32
    %c0_i32_0 = arith.constant 0 : i32
    return %arg0, %c0_i32 : i32, i32
  }
}

</mosaic_0001>

<sc_bundles>
// kernel: kernel.6.cloned.1.call-start
scs
__scs_entry_jumppad:
0x0: {  	(pc) =	sbr.rel $0x88, $3  }
0x1: {  	(tag) =	ssettag $0x0;
	lr =	simm.s32 $0x1  }
0x2: {  	[smem:$0x3F9D] =	sst lr;
	_ =	strace $0xD0000000  }
0x3: {  	_ = 	snop  }
0x4: {  	_ = 	snop  }
0x5: {  	_ = 	snop  }
0x6: {  	_ = 	snop  }
0x7: {  	_ = 	snop  }
__scs_overlays_trampoline_lowered:
0x8: {  	[smem:$0x3FAC] =	sst s0  }
0x9: {  	[smem:$0x3FAD] =	sst s1  }
0xa: {  	[smem:$0x3FAE] =	sst s2  }
0xb: {  	[smem:$0x3FAF] =	sst s3  }
0xc: {  	[smem:$0x3FB0] =	sst s4  }
0xd: {  	[smem:$0x3FB1] =	sst s5  }
0xe: {  	[smem:$0x3FB2] =	sst s6  }
0xf: {  	[smem:$0x3FB3] =	sst s7  }
0x10: {  	[smem:$0x3FB4] =	sst s8  }
0x11: {  	[smem:$0x3FB5] =	sst s9;
	s0 =	simm.s32 @!p0 $0x0  }
0x12: {  	s1 =	sld [smem:$0x3F9B];
	s0 =	simm.s32 @p0 $0x1  }
0x13: {  	[smem:$0x3FB6] =	sst s0;
	s0 =	simm.s32 @!p1 $0x0  }
0x14: {  	s2 =	sld [smem:$0x3F9A];
	s0 =	simm.s32 @p1 $0x1  }
0x15: {  	[smem:$0x3FB7] =	sst s0;
	s0 =	simm.s32 @!p2 $0x0  }
0x16: {  	s3 =	sld [smem:$0x3FDB];
	s0 =	simm.s32 @p2 $0x1  }
0x17: {  	s4 =	simm.s32 $0x1BF5;
	[smem:$0x3FB9] =	sst s0  }
0x18: {  	s0 =	sld [smem:$0x3F9C];
	_ =	swait.ge [sflag:s4], $0x0  }
0x19: {  	s7 =	sld [smem:$0x3F9D]  }
0x1a: {  	s8 =	sadd.s32 $0xFFFFE003, lr  }
0x1b: {  	s9 =	sadd.s32 $0xFFFFFEF7, lr;
	s5 =	simm.s32 $0xFFFFFFFF;
	p2 =	slt.u32 s8, $0xFFFFF086  }
0x1c: {  	p1 =	slt.u32 s9, $0xF7A;
	s5 =	simm.s32 @!p2 $0x0  }
0x1d: {  	s5 =	simm.s32 @p1 $0x1;
	p0 =	seq.s32 s7, s2  }
0x1e: {  	s7 =	smul.u32 @!p0 $0xF7A, s2;
	p2 =	seq.s32 @!p0 s5, $0x0  }
0x1f: {  	s9 =	smul.u32 $0xF7A, s1;
	s8 =	simm.s32 @!p0 $0x1BF5;
	p2 =	por !p2, p0  }
0x20: {  	[sflag:s8] =	ssyncset.s32 @!p0 $0xFFFFF086;
	s6 =	sadd.s32 @!p0 s3, s7;
	s7 =	simm.s32 @!p0 $0x108  }
0x21: {  	s3 =	sadd.s32 s3, s9;
	s6 =	sadd.s32 @!p0 $0x88, s6;
	s7 =	simm.s32 @p2 $0x1082  }
0x22: {  	[simem:s7], [sflag:s8] =	dma.local @!p0 [hbm:s6], $0xF7A  }
0x23: {  	s9 =	sor.u32 $0xD0000000, s2;
	s6 =	simm.s32 $0x108;
	_ =	swait.ge @!p0 [sflag:s8], $0x0  }
0x24: {  	s3 =	sadd.s32 $0x88, s3;
	s6 =	simm.s32 @!p1 $0x1082;
	[sflag:s4] =	ssyncset.s32 $0xFFFFF086  }
0x25: {  	[simem:s6], [sflag:s4] =	dma.local [hbm:s3], $0xF7A  }
0x26: {  	[smem:$0x3F9D] =	sst s1;
	(tag) =	ssettag s2;
	_ =	strace s9  }
0x27: {  	s1 =	sld [smem:$0x3FAD]  }
0x28: {  	s2 =	sld [smem:$0x3FAE]  }
0x29: {  	s4 =	sld [smem:$0x3FB0]  }
0x2a: {  	p0 =	seq.s32 s5, $0x0;
	s5 =	sld [smem:$0x3FB1]  }
0x2b: {  	s6 =	sld [smem:$0x3FB2]  }
0x2c: {  	s7 =	sld [smem:$0x3FB3]  }
0x2d: {  	s3 =	simm.s32 $0x108;
	s8 =	sld [smem:$0x3FB4]  }
0x2e: {  	s3 =	simm.s32 @!p0 $0x1082;
	s9 =	sld [smem:$0x3FB5]  }
0x2f: {  	lr =	sadd.s32 s0, s3;
	s0 =	sld [smem:$0x3FAC]  }
0x30: {  	s3 =	sld [smem:$0x3FAF]  }
0x31: {  	[smem:$0x3FB8] =	sst s10  }
0x32: {  	s10 =	sld [smem:$0x3FB6];
	_ =	sdelay $0x3  }
0x33: {  	p0 =	seq.s32 s10, $0x1;
	s10 =	sld [smem:$0x3FB8];
	_ =	sdelay $0x3  }
0x34: {  	[smem:$0x3FB8] =	sst s10  }
0x35: {  	s10 =	sld [smem:$0x3FB7];
	_ =	sdelay $0x3  }
0x36: {  	p1 =	seq.s32 s10, $0x1;
	s10 =	sld [smem:$0x3FB8];
	_ =	sdelay $0x3  }
0x37: {  	[smem:$0x3FB8] =	sst s10  }
0x38: {  	s10 =	sld [smem:$0x3FB9]  }
0x39: {  	_ = 	snop;
	(pc) =	sbr.ind lr, $3  }
0x3a: {  	_ = 	snop  }
0x3b: {  	_ = 	snop  }
0x3c: {  	p2 =	seq.s32 s10, $0x1;
	s10 =	sld [smem:$0x3FB8]  }
0x3d: {  	_ =	shalt  }
0x3e: {  	_ =	shalt  }
0x3f: {  	_ =	shalt  }
0x40: {  	_ =	shalt  }
0x41: {  	_ =	shalt  }
0x42: {  	_ =	shalt  }
0x43: {  	_ =	shalt  }
0x44: {  	_ =	shalt  }
0x45: {  	_ =	shalt  }
0x46: {  	_ =	shalt  }
0x47: {  	_ =	shalt  }
0x48: {  	_ =	shalt  }
0x49: {  	_ =	shalt  }
0x4a: {  	_ =	shalt  }
0x4b: {  	_ =	shalt  }
0x4c: {  	_ =	shalt  }
0x4d: {  	_ =	shalt  }
0x4e: {  	_ =	shalt  }
0x4f: {  	_ =	shalt  }
0x50: {  	_ =	shalt  }
0x51: {  	_ =	shalt  }
0x52: {  	_ =	shalt  }
0x53: {  	_ =	shalt  }
0x54: {  	_ =	shalt  }
0x55: {  	_ =	shalt  }
0x56: {  	_ =	shalt  }
0x57: {  	_ =	shalt  }
0x58: {  	_ =	shalt  }
0x59: {  	_ =	shalt  }
0x5a: {  	_ =	shalt  }
0x5b: {  	_ =	shalt  }
0x5c: {  	_ =	shalt  }
0x5d: {  	_ =	shalt  }
0x5e: {  	_ =	shalt  }
0x5f: {  	_ =	shalt  }
0x60: {  	_ =	shalt  }
0x61: {  	_ =	shalt  }
0x62: {  	_ =	shalt  }
0x63: {  	_ =	shalt  }
0x64: {  	_ =	shalt  }
0x65: {  	_ =	shalt  }
0x66: {  	_ =	shalt  }
0x67: {  	_ =	shalt  }
0x68: {  	_ =	shalt  }
0x69: {  	_ =	shalt  }
0x6a: {  	_ =	shalt  }
0x6b: {  	_ =	shalt  }
0x6c: {  	_ =	shalt  }
0x6d: {  	_ =	shalt  }
0x6e: {  	_ =	shalt  }
0x6f: {  	_ =	shalt  }
0x70: {  	_ =	shalt  }
0x71: {  	_ =	shalt  }
0x72: {  	_ =	shalt  }
0x73: {  	_ =	shalt  }
0x74: {  	_ =	shalt  }
0x75: {  	_ =	shalt  }
0x76: {  	_ =	shalt  }
0x77: {  	_ =	shalt  }
0x78: {  	_ =	shalt  }
0x79: {  	_ =	shalt  }
0x7a: {  	_ =	shalt  }
0x7b: {  	_ =	shalt  }
0x7c: {  	_ =	shalt  }
0x7d: {  	_ =	shalt  }
0x7e: {  	_ =	shalt  }
0x7f: {  	_ =	shalt  }
0x80: {  	_ =	shalt  }
0x81: {  	_ =	shalt  }
0x82: {  	_ =	shalt  }
0x83: {  	_ =	shalt  }
0x84: {  	_ =	shalt  }
0x85: {  	_ =	shalt  }
0x86: {  	_ =	shalt  }
0x87: {  	_ =	shalt  }
.Lfunc_end0:
.L_simem_size_0:
called_computation_lowered:
.L_overlay_start_0:
0x88: {  	s2 =	sld [smem:$0x3FD9]  }
0x89: {  	s3 =	sld [smem:$0x3FFE];
	_ =	sdelay $0x1  }
0x8a: {  	s1 =	srdreg.scid  }
0x8b: {  	s0 =	sand.u32 $0x1, s1  }
0x8c: {  	s17 =	sshll.u32 s0, $0xA;
	s2 =	sadd.s32 s3, s2  }
0x8d: {  	s2 =	sadd.s32 s2, s17  }
0x8e: {  	[smem:$0x3FC4] =	sst s2  }
0x8f: {  	_ = 	snop  }
0x90: {  	s2 =	sld [smem:$0x3FD0];
	(tm) =	ssettm $0x1  }
0x91: {  	s18 =	sld [smem:$0x3FFB];
	_ =	sdelay $0x3  }
0x92: {  	_ =	strace s18  }
0x93: {  	s3 =	sld [smem:$0x3FFC];
	_ =	sdelay $0x3  }
0x94: {  	_ =	strace s3  }
0x95: {  	s3 =	sld [smem:$0x3FFD];
	_ =	sdelay $0x3  }
0x96: {  	_ =	strace s3  }
0x97: {  	_ =	strace $0x8FFFFFFF  }
0x98: {  	s19 =	sld [smem:$0x3FDB];
	_ =	sdelay $0x1  }
0x99: {  	s4 =	simm.s32 $_scs_section_size  }
0x9a: {  	s5 =	simm.s32 $_size__tile_overlayer_lowered;
	s6 =	simm.s32 $_tile_overlayer_lowered  }
0x9b: {  	s22 =	simm.s32 $0x1BFF;
	s21 =	sshll.u32 s6, $0x1;
	s3 =	sadd.s32 s4, s19  }
0x9c: {  	s7 =	simm.s32 $0x0;
	s20 =	sshll.u32 s5, $0x1;
	s5 =	sadd.s32 s21, s3  }
0x9d: {  	[timem:s7], [sflag:s22] =	dma.local [hbm:s5], s20  }
0x9e: {  	_ =	swait.ge [sflag:s22], s20  }
0x9f: {  	s4 =	ssub.s32 $0x0, s20;
	[sflag:s22] =	ssyncset.done $0x0  }
0xa0: {  	[sflag:s22] =	ssyncadd.s32 s4;
	_ =	sdelay $0x1  }
0xa1: {  	s23 =	simm.s32 $0x1B8B  }
0xa2: {  	_ =	swait.ge [sflag:s23], $0x1  }
0xa3: {  	[sflag:s23] =	ssyncset.done $0x0  }
0xa4: {  	s25 =	simm.s32 $0x1B8E;
	s24 =	sld [smem:$0x3FFE];
	[sflag:s23] =	ssyncadd.s32 $0xFFFFFFFF  }
0xa5: {  	s26 =	simm.s32 $execute0_lowered;
	[smem:$0x3FD2] =	sst s25  }
0xa6: {  	s5 =	sshll.u32 s26, $0x1;
	_ =	strace $0x80000046;
	[dreg:$0x1] =	wrdreg $0xFFFFFFFF  }
0xa7: {  	s28 =	simm.s32 $_size_execute0_lowered;
	s3 =	sadd.s32 s3, s5;
	[dreg:$0x0] =	wrdreg $0x0  }
0xa8: {  	s5 =	sshll.u32 s28, $0x1;
	[dreg:$0x2] =	wrdreg s3  }
0xa9: {  	[dreg:$0x3] =	wrdreg s5  }
0xaa: {  	[dreg:$0x4] =	wrdreg $0xC0  }
0xab: {  	_ =	task [dreg:s7], $0x5FFFF  }
0xac: {  	[dreg:$0x1] =	wrdreg $0xFFFFFFFF  }
0xad: {  	[dreg:$0x0] =	wrdreg $0x60  }
0xae: {  	[dreg:$0x2] =	wrdreg s2  }
0xaf: {  	[dreg:$0x3] =	wrdreg s24  }
0xb0: {  	[dreg:$0x4] =	wrdreg $0x50000  }
0xb1: {  	[dreg:$0x5] =	wrdreg $0x9  }
0xb2: {  	_ =	task.clear_ibuf [dreg:s7], $0x6FFFF;
	_ =	strace $0x90000046  }
0xb3: {  	s29 =	simm.s32 $0x9;
	_ =	strace $0x80000048  }
0xb4: {  	_ =	swait.ge [sflag:s29], $0x1  }
0xb5: {  	[sflag:s29] =	ssyncadd.s32 $0xFFFFFFFF  }
0xb6: {  	_ =	strace $0x90000048  }
0xb7: {  	_ =	sfence  }
0xb8: {  	s30 =	sld [smem:$0x0];
	_ =	sdelay $0x2  }
0xb9: {  	s31 =	sshll.u32 s1, $0xD;
	s1 =	sshrl.u32 s1, $0x2  }
0xba: {  	s3 =	sand.u32 $0x4000, s31;
	s1 =	sadd.s32 s1, s30  }
0xbb: {  	s0 =	sor.u32 s3, s0;
	s1 =	sshll.u32 s1, $0x11  }
0xbc: {  	s0 =	sor.u32 s1, s0  }
0xbd: {  	s0 =	sadd.s32 $0x8F2B, s0  }
0xbe: {  	[sflag:s0] =	ssyncadd.remote.s32 $0x1  }
0xbf: {  	_ =	sfence.sel $0xFFFF  }
0xc0: {  	[dreg:$0x0] =	wrdreg $0xFFFFFFFF;
	(pc) =	sbr.abs _section_cstart, $3  }
0xc1: {  	[dreg:$0x1] =	wrdreg $0xFFFFFFFF  }
0xc2: {  	_ =	task.clear_ibuf [dreg:s7], $0x2FFFF;
	_ =	strace $0x9FFFFFFF  }
0xc3: {  	(tm) =	ssettm $0x7FFFFFFF  }
tec
execute0_lowered:
.L_overlay_start_1:
0x0: {  	(tag) =	ssettag $0x1  }
0x1: {  	s3 =	rddreg [dreg:$0x0]  }
0x2: {  	s4 =	rddreg [dreg:$0x1]  }
0x3: {  	s1 =	rddreg [dreg:$0x2]  }
0x4: {  	s2 =	srdreg.scid;
	s0 =	rddreg [dreg:$0x3]  }
0x5: {  	s10 =	stileid.u32;
	s9 =	simm.s32 $0x4F80;
	s12 =	simm.s32 $0x0  }
0x6: {  	s5 =	sand.u32 $0x1, s2;
	s2 =	simm.s32 $0x0;
	s7 =	sshll.u32 s10, $0xA  }
0x7: {  	p0 =	sne.s32 s10, $0x0;
	p1 =	sgt.u32 s10, $0x9;
	s6 =	smul.u32 $0x2800, s5  }
0x8: {  	s8 =	sshll.u32 s5, $0x4;
	[smem:$0x7FF] =	sst s2;
	s5 =	ssub.s32 $0x2, s5  }
0x9: {  	s11 =	sadd.s32 s7, s1;
	s8 =	sor.u32 s10, s8;
	_ =	strace $0x80000047  }
0xa: {  	s31 =	sshrl.u32 s5, $0x1;
	s10 =	sshll.u32 @!p1 s10, $0x6;
	s11 =	sshrl.u32 @!p1 s11, $0x3  }
0xb: {  	s6 =	sadd.s32 s7, s6;
	s8 =	smul.u32 $0x4F0, s8;
	s5 =	ssub.s32 s5, s31  }
0xc: {  	v0 =	vlaneseq.u32;
	s7 =	simm.s32 $0x2780;
	s10 =	sor.u32 @!p1 $0x1C01, s10;
	s6 =	sshrl.u32 s6, $0x3  }
0xd: {  	v1 =	vimm.f32 $0.0e+00;
	v6 =	vimm.f32 $1.000000000e+00;
	v2 =	vor.u32 $0x10, v0;
	s5 =	smax.u32 s5, $0x1;
	s4 =	sadd.s32 s6, s4;
	s3 =	sadd.s32 s3, s8  }
0xe: {  	v3 =	vor.u32 $0x20, v0;
	v4 =	vor.u32 $0x30, v0;
	v5 =	vor.u32 $0x40, v0;
	s6 =	simm.s32 $0x1;
	s8 =	simm.s32 $0x50;
	s4 =	sadd.s32 $0x1800, s4  }
.LBB2_1:
0xf: {  	[tilespmem:s2], [sflag:$0x1] =	stream.linear.gather [hbm4b:s3+s2], $0x2780, $0x38;
	[tilespmem:$0x5280] =	vst v63  }
0x10: {  	_ =	swait.ge [sflag:s6], $0x2780  }
0x11: {  	[sflag:s6] =	ssyncset.done $0x0  }
0x12: {  	s13 =	simm.s32 $0x70;
	s14 =	simm.s32 $0x3C0;
	[sflag:s6] =	ssyncadd.s32 $0xFFFFD880  }
.LBB2_2:
0x13: {  	p2 =	sne.s32 s14, $0x9FC0;
	[tilespmem:s13+$0x2780] =	vst v1  }
0x14: {  	[tilespmem:s13+$0x2710] =	vst v1  }
0x15: {  	[tilespmem:s13+$0x2720] =	vst v1  }
.Ltmp0:
0x16: {  	[tilespmem:s13+$0x2730] =	vst v1;
	(pc) =	sbr.rel @p2 .LBB2_2-.Ltmp0, $4  }
0x17: {  	[tilespmem:s13+$0x2740] =	vst v1  }
0x18: {  	[tilespmem:s13+$0x2750] =	vst v1  }
0x19: {  	[tilespmem:s13+$0x2760] =	vst v1  }
0x1a: {  	[tilespmem:s13+$0x2770] =	vst v1;
	s13 =	sshra.s32 s14, $0x2;
	s14 =	sadd.s32 $0x200, s14  }
0x1b: {  	[tilespmem:s13+$0x2780] =	vst v1  }
0x1c: {  	[tilespmem:s13+$0x2710] =	vst v1  }
0x1d: {  	[tilespmem:s13+$0x2720] =	vst v1  }
0x1e: {  	[tilespmem:s13+$0x2730] =	vst v1  }
0x1f: {  	[tilespmem:s13+$0x2740] =	vst v1  }
0x20: {  	[tilespmem:s13+$0x2750] =	vst v1  }
0x21: {  	[tilespmem:s13+$0x2760] =	vst v1  }
0x22: {  	[tilespmem:s13+$0x2770] =	vst v1;
	s13 =	simm.s32 @!p0 $0x2780  }
0x23: {  	[spmem:s1] =	stream.linear.scatter @!p0 [tilespmem:s13], [sflag:$0x1], $0x2800, $0x38;
	[tilespmem:$0x5280] =	vst v63  }
0x24: {  	s13 =	simm.s32 @!p0 $0x1  }
0x25: {  	_ =	swait.ge @!p0 [sflag:s13], $0x2800  }
0x26: {  	[sflag:s13] =	ssyncset.done @!p0 $0x0  }
0x27: {  	[sflag:s13] =	ssyncadd.s32 @!p0 $0xFFFFD800  }
0x28: {  	[tilespmem:$0x4F80] =	vst v0  }
0x29: {  	[tilespmem:$0x4F90] =	vst v2  }
0x2a: {  	[tilespmem:$0x4FA0] =	vst v3  }
0x2b: {  	[tilespmem:$0x4FB0] =	vst v4  }
0x2c: {  	[tilespmem:$0x4FC0] =	vst v5  }
0x2d: {  	s13 =	simm.s32 $0x1C0;
	[bflag:$0x0] =	sbarrier.arrive $0xFFFF  }
.LBB2_4:
0x2e: {  	s14 =	sshra.s32 s13, $0x2  }
0x2f: {  	v7 =	vld [tilespmem:s14+$0xFFFFFF90];
	_ =	sdelay $0x7  }
0x30: {  	[tilespmem:v7+s7+$0x0] =	vst.idx.add.f32.msk $0xffff, v6  }
0x31: {  	v7 =	vld [tilespmem:s14+$0xFFFFFFA0];
	_ =	sdelay $0x7  }
0x32: {  	[tilespmem:v7+s7+$0x0] =	vst.idx.add.f32.msk $0xffff, v6  }
0x33: {  	v7 =	vld [tilespmem:s14+$0xFFFFFFB0];
	_ =	sdelay $0x7  }
0x34: {  	[tilespmem:v7+s7+$0x0] =	vst.idx.add.f32.msk $0xffff, v6  }
0x35: {  	v7 =	vld [tilespmem:s14+$0xFFFFFFC0];
	_ =	sdelay $0x7  }
0x36: {  	[tilespmem:v7+s7+$0x0] =	vst.idx.add.f32.msk $0xffff, v6  }
0x37: {  	v7 =	vld [tilespmem:s14+$0xFFFFFFD0];
	_ =	sdelay $0x7  }
0x38: {  	[tilespmem:v7+s7+$0x0] =	vst.idx.add.f32.msk $0xffff, v6  }
0x39: {  	v7 =	vld [tilespmem:s14+$0xFFFFFFE0];
	_ =	sdelay $0x7  }
0x3a: {  	[tilespmem:v7+s7+$0x0] =	vst.idx.add.f32.msk $0xffff, v6  }
0x3b: {  	v7 =	vld [tilespmem:s14+$0xFFFFFFF0];
	_ =	sdelay $0x7  }
0x3c: {  	[tilespmem:v7+s7+$0x0] =	vst.idx.add.f32.msk $0xffff, v6  }
0x3d: {  	v7 =	vld [tilespmem:s14+$0x0];
	_ =	sdelay $0x2  }
0x3e: {  	p2 =	sne.s32 s13, $0x9DC0  }
.Ltmp1:
0x3f: {  	_ = 	snop;
	(pc) =	sbr.rel @p2 .LBB2_4-.Ltmp1, $2  }
0x40: {  	_ =	sdelay $0x2  }
0x41: {  	s13 =	sadd.s32 $0x200, s13;
	[tilespmem:v7+s7+$0x0] =	vst.idx.add.f32.msk $0xffff, v6  }
0x42: {  	[spmem:s1] =	stream.indirect.scatter.add.f32 [tilespmem:s7], [sflag:$0x1], $0x80, s9, s8, $0xb8;
	[tilespmem:$0x5280] =	vst v63  }
0x43: {  	_ =	swait.ge [sflag:s6], $0x2800  }
0x44: {  	s12 =	sadd.s32 $0x1, s12;
	[sflag:s6] =	ssyncset.done $0x0  }
0x45: {  	p2 =	sne.s32 s12, s5;
	[sflag:s6] =	ssyncadd.s32 $0xFFFFD800  }
.Ltmp2:
0x46: {  	s13 =	simm.s32 @!p1 $0x1;
	[bflag:$0x0] =	sbarrier.arrive $0xFFFF;
	(pc) =	sbr.rel @p2 .LBB2_1-.Ltmp2, $4  }
0x47: {  	[hbm:s4], [sflag:s10] =	dma.local @!p1 [spmem:s11], $0x80  }
0x48: {  	_ =	swait.ge @!p1 [sflag:s13], $0x80  }
0x49: {  	[sflag:s13] =	ssyncset.done @!p1 $0x0  }
0x4a: {  	[sflag:s13] =	ssyncadd.s32 @!p1 $0xFFFFFF80  }
0x4b: {  	_ =	sfence.sel $0x180000  }
0x4c: {  	[bflag:$0x0] =	sbarrier.arrive $0xFFFF  }
0x4d: {  	_ =	strace $0x90000047  }
0x4e: {  	s0 =	sadd.s32 @!p0 $0x100000, s0;
	[bflag:$0x2] =	sbarrier.arrive $0xFFFF  }
0x4f: {  	[sflag:s0] =	ssyncadd.tile.s32 @!p0 $0x1;
	_ =	shalt  }
.Lfunc_end2:
_tile_overlayer_lowered:
.L_overlay_start_2:
0x50: {  	(tag) =	ssettag $0x2  }
0x51: {  	s0 =	rddreg [dreg:$0x0];
	s2 =	stileid.u32  }
0x52: {  	s1 =	rddreg [dreg:$0x1];
	p0 =	sne.s32 s2, $0x0  }
0x53: {  	s3 =	rddreg [dreg:$0x2];
	[bflag:$0x3] =	sbarrier.arrive $0xFFFF;
	s2 =	simm.s32 @!p0 $0x1C01  }
0x54: {  	[timem:s3], [sflag:s2] =	dma.local @!p0 [hbm:s0], s1  }
0x55: {  	s0 =	simm.s32 @!p0 $0x1  }
0x56: {  	_ =	swait.ge @!p0 [sflag:s0], s1  }
0x57: {  	s1 =	ssub.s32 @!p0 $0x0, s1;
	[sflag:s0] =	ssyncset.done @!p0 $0x0  }
0x58: {  	[sflag:s0] =	ssyncadd.s32 @!p0 s1  }
0x59: {  	[bflag:$0x3] =	sbarrier.arrive $0xFFFF  }
0x5a: {  	_ =	shalt  }

// kernel: kernel.9.cloned.1.call-start
scs
__scs_entry_jumppad:
0x0: {  	(pc) =	sbr.rel $0x88, $3  }
0x1: {  	(tag) =	ssettag $0x0;
	lr =	simm.s32 $0x1  }
0x2: {  	[smem:$0x3F9D] =	sst lr;
	_ =	strace $0xD0000000  }
0x3: {  	_ = 	snop  }
0x4: {  	_ = 	snop  }
0x5: {  	_ = 	snop  }
0x6: {  	_ = 	snop  }
0x7: {  	_ = 	snop  }
__scs_overlays_trampoline_lowered:
0x8: {  	[smem:$0x3FAC] =	sst s0  }
0x9: {  	[smem:$0x3FAD] =	sst s1  }
0xa: {  	[smem:$0x3FAE] =	sst s2  }
0xb: {  	[smem:$0x3FAF] =	sst s3  }
0xc: {  	[smem:$0x3FB0] =	sst s4  }
0xd: {  	[smem:$0x3FB1] =	sst s5  }
0xe: {  	[smem:$0x3FB2] =	sst s6  }
0xf: {  	[smem:$0x3FB3] =	sst s7  }
0x10: {  	[smem:$0x3FB4] =	sst s8  }
0x11: {  	[smem:$0x3FB5] =	sst s9;
	s0 =	simm.s32 @!p0 $0x0  }
0x12: {  	s1 =	sld [smem:$0x3F9B];
	s0 =	simm.s32 @p0 $0x1  }
0x13: {  	[smem:$0x3FB6] =	sst s0;
	s0 =	simm.s32 @!p1 $0x0  }
0x14: {  	s2 =	sld [smem:$0x3F9A];
	s0 =	simm.s32 @p1 $0x1  }
0x15: {  	[smem:$0x3FB7] =	sst s0;
	s0 =	simm.s32 @!p2 $0x0  }
0x16: {  	s3 =	sld [smem:$0x3FDB];
	s0 =	simm.s32 @p2 $0x1  }
0x17: {  	s4 =	simm.s32 $0x1BF5;
	[smem:$0x3FB9] =	sst s0  }
0x18: {  	s0 =	sld [smem:$0x3F9C];
	_ =	swait.ge [sflag:s4], $0x0  }
0x19: {  	s7 =	sld [smem:$0x3F9D]  }
0x1a: {  	s8 =	sadd.s32 $0xFFFFE003, lr  }
0x1b: {  	s9 =	sadd.s32 $0xFFFFFEF7, lr;
	s5 =	simm.s32 $0xFFFFFFFF;
	p2 =	slt.u32 s8, $0xFFFFF086  }
0x1c: {  	p1 =	slt.u32 s9, $0xF7A;
	s5 =	simm.s32 @!p2 $0x0  }
0x1d: {  	s5 =	simm.s32 @p1 $0x1;
	p0 =	seq.s32 s7, s2  }
0x1e: {  	s7 =	smul.u32 @!p0 $0xF7A, s2;
	p2 =	seq.s32 @!p0 s5, $0x0  }
0x1f: {  	s9 =	smul.u32 $0xF7A, s1;
	s8 =	simm.s32 @!p0 $0x1BF5;
	p2 =	por !p2, p0  }
0x20: {  	[sflag:s8] =	ssyncset.s32 @!p0 $0xFFFFF086;
	s6 =	sadd.s32 @!p0 s3, s7;
	s7 =	simm.s32 @!p0 $0x108  }
0x21: {  	s3 =	sadd.s32 s3, s9;
	s6 =	sadd.s32 @!p0 $0x88, s6;
	s7 =	simm.s32 @p2 $0x1082  }
0x22: {  	[simem:s7], [sflag:s8] =	dma.local @!p0 [hbm:s6], $0xF7A  }
0x23: {  	s9 =	sor.u32 $0xD0000000, s2;
	s6 =	simm.s32 $0x108;
	_ =	swait.ge @!p0 [sflag:s8], $0x0  }
0x24: {  	s3 =	sadd.s32 $0x88, s3;
	s6 =	simm.s32 @!p1 $0x1082;
	[sflag:s4] =	ssyncset.s32 $0xFFFFF086  }
0x25: {  	[simem:s6], [sflag:s4] =	dma.local [hbm:s3], $0xF7A  }
0x26: {  	[smem:$0x3F9D] =	sst s1;
	(tag) =	ssettag s2;
	_ =	strace s9  }
0x27: {  	s1 =	sld [smem:$0x3FAD]  }
0x28: {  	s2 =	sld [smem:$0x3FAE]  }
0x29: {  	s4 =	sld [smem:$0x3FB0]  }
0x2a: {  	p0 =	seq.s32 s5, $0x0;
	s5 =	sld [smem:$0x3FB1]  }
0x2b: {  	s6 =	sld [smem:$0x3FB2]  }
0x2c: {  	s7 =	sld [smem:$0x3FB3]  }
0x2d: {  	s3 =	simm.s32 $0x108;
	s8 =	sld [smem:$0x3FB4]  }
0x2e: {  	s3 =	simm.s32 @!p0 $0x1082;
	s9 =	sld [smem:$0x3FB5]  }
0x2f: {  	lr =	sadd.s32 s0, s3;
	s0 =	sld [smem:$0x3FAC]  }
0x30: {  	s3 =	sld [smem:$0x3FAF]  }
0x31: {  	[smem:$0x3FB8] =	sst s10  }
0x32: {  	s10 =	sld [smem:$0x3FB6];
	_ =	sdelay $0x3  }
0x33: {  	p0 =	seq.s32 s10, $0x1;
	s10 =	sld [smem:$0x3FB8];
	_ =	sdelay $0x3  }
0x34: {  	[smem:$0x3FB8] =	sst s10  }
0x35: {  	s10 =	sld [smem:$0x3FB7];
	_ =	sdelay $0x3  }
0x36: {  	p1 =	seq.s32 s10, $0x1;
	s10 =	sld [smem:$0x3FB8];
	_ =	sdelay $0x3  }
0x37: {  	[smem:$0x3FB8] =	sst s10  }
0x38: {  	s10 =	sld [smem:$0x3FB9]  }
0x39: {  	_ = 	snop;
	(pc) =	sbr.ind lr, $3  }
0x3a: {  	_ = 	snop  }
0x3b: {  	_ = 	snop  }
0x3c: {  	p2 =	seq.s32 s10, $0x1;
	s10 =	sld [smem:$0x3FB8]  }
0x3d: {  	_ =	shalt  }
0x3e: {  	_ =	shalt  }
0x3f: {  	_ =	shalt  }
0x40: {  	_ =	shalt  }
0x41: {  	_ =	shalt  }
0x42: {  	_ =	shalt  }
0x43: {  	_ =	shalt  }
0x44: {  	_ =	shalt  }
0x45: {  	_ =	shalt  }
0x46: {  	_ =	shalt  }
0x47: {  	_ =	shalt  }
0x48: {  	_ =	shalt  }
0x49: {  	_ =	shalt  }
0x4a: {  	_ =	shalt  }
0x4b: {  	_ =	shalt  }
0x4c: {  	_ =	shalt  }
0x4d: {  	_ =	shalt  }
0x4e: {  	_ =	shalt  }
0x4f: {  	_ =	shalt  }
0x50: {  	_ =	shalt  }
0x51: {  	_ =	shalt  }
0x52: {  	_ =	shalt  }
0x53: {  	_ =	shalt  }
0x54: {  	_ =	shalt  }
0x55: {  	_ =	shalt  }
0x56: {  	_ =	shalt  }
0x57: {  	_ =	shalt  }
0x58: {  	_ =	shalt  }
0x59: {  	_ =	shalt  }
0x5a: {  	_ =	shalt  }
0x5b: {  	_ =	shalt  }
0x5c: {  	_ =	shalt  }
0x5d: {  	_ =	shalt  }
0x5e: {  	_ =	shalt  }
0x5f: {  	_ =	shalt  }
0x60: {  	_ =	shalt  }
0x61: {  	_ =	shalt  }
0x62: {  	_ =	shalt  }
0x63: {  	_ =	shalt  }
0x64: {  	_ =	shalt  }
0x65: {  	_ =	shalt  }
0x66: {  	_ =	shalt  }
0x67: {  	_ =	shalt  }
0x68: {  	_ =	shalt  }
0x69: {  	_ =	shalt  }
0x6a: {  	_ =	shalt  }
0x6b: {  	_ =	shalt  }
0x6c: {  	_ =	shalt  }
0x6d: {  	_ =	shalt  }
0x6e: {  	_ =	shalt  }
0x6f: {  	_ =	shalt  }
0x70: {  	_ =	shalt  }
0x71: {  	_ =	shalt  }
0x72: {  	_ =	shalt  }
0x73: {  	_ =	shalt  }
0x74: {  	_ =	shalt  }
0x75: {  	_ =	shalt  }
0x76: {  	_ =	shalt  }
0x77: {  	_ =	shalt  }
0x78: {  	_ =	shalt  }
0x79: {  	_ =	shalt  }
0x7a: {  	_ =	shalt  }
0x7b: {  	_ =	shalt  }
0x7c: {  	_ =	shalt  }
0x7d: {  	_ =	shalt  }
0x7e: {  	_ =	shalt  }
0x7f: {  	_ =	shalt  }
0x80: {  	_ =	shalt  }
0x81: {  	_ =	shalt  }
0x82: {  	_ =	shalt  }
0x83: {  	_ =	shalt  }
0x84: {  	_ =	shalt  }
0x85: {  	_ =	shalt  }
0x86: {  	_ =	shalt  }
0x87: {  	_ =	shalt  }
.Lfunc_end0:
.L_simem_size_0:
called_computation.1_lowered:
.L_overlay_start_0:
0x88: {  	s2 =	sld [smem:$0x3FD9]  }
0x89: {  	s3 =	sld [smem:$0x3FFE];
	_ =	sdelay $0x1  }
0x8a: {  	s1 =	srdreg.scid  }
0x8b: {  	s0 =	sand.u32 $0x1, s1  }
0x8c: {  	s17 =	sshll.u32 s0, $0xA;
	s2 =	sadd.s32 s3, s2  }
0x8d: {  	s2 =	sadd.s32 s2, s17  }
0x8e: {  	[smem:$0x3FC4] =	sst s2  }
0x8f: {  	_ = 	snop  }
0x90: {  	s2 =	sld [smem:$0x3FD0];
	(tm) =	ssettm $0x1  }
0x91: {  	s18 =	sld [smem:$0x3FFB];
	_ =	sdelay $0x3  }
0x92: {  	_ =	strace s18  }
0x93: {  	s3 =	sld [smem:$0x3FFC];
	_ =	sdelay $0x3  }
0x94: {  	_ =	strace s3  }
0x95: {  	s3 =	sld [smem:$0x3FFD];
	_ =	sdelay $0x3  }
0x96: {  	_ =	strace s3  }
0x97: {  	_ =	strace $0x8FFFFFFF  }
0x98: {  	s19 =	sld [smem:$0x3FDB];
	_ =	sdelay $0x1  }
0x99: {  	s4 =	simm.s32 $_scs_section_size  }
0x9a: {  	s5 =	simm.s32 $_size__tile_overlayer_lowered;
	s6 =	simm.s32 $_tile_overlayer_lowered  }
0x9b: {  	s22 =	simm.s32 $0x1BFF;
	s21 =	sshll.u32 s6, $0x1;
	s3 =	sadd.s32 s4, s19  }
0x9c: {  	s7 =	simm.s32 $0x0;
	s20 =	sshll.u32 s5, $0x1;
	s5 =	sadd.s32 s21, s3  }
0x9d: {  	[timem:s7], [sflag:s22] =	dma.local [hbm:s5], s20  }
0x9e: {  	_ =	swait.ge [sflag:s22], s20  }
0x9f: {  	s4 =	ssub.s32 $0x0, s20;
	[sflag:s22] =	ssyncset.done $0x0  }
0xa0: {  	[sflag:s22] =	ssyncadd.s32 s4;
	_ =	sdelay $0x1  }
0xa1: {  	s23 =	simm.s32 $0x1B8B  }
0xa2: {  	_ =	swait.ge [sflag:s23], $0x1  }
0xa3: {  	[sflag:s23] =	ssyncset.done $0x0  }
0xa4: {  	s25 =	simm.s32 $0x1B8E;
	s24 =	sld [smem:$0x3FFE];
	[sflag:s23] =	ssyncadd.s32 $0xFFFFFFFF  }
0xa5: {  	s26 =	simm.s32 $execute0_lowered;
	[smem:$0x3FD2] =	sst s25  }
0xa6: {  	s5 =	sshll.u32 s26, $0x1;
	_ =	strace $0x80000049;
	[dreg:$0x1] =	wrdreg $0xFFFFFFFF  }
0xa7: {  	s28 =	simm.s32 $_size_execute0_lowered;
	s3 =	sadd.s32 s3, s5;
	[dreg:$0x0] =	wrdreg $0x0  }
0xa8: {  	s5 =	sshll.u32 s28, $0x1;
	[dreg:$0x2] =	wrdreg s3  }
0xa9: {  	[dreg:$0x3] =	wrdreg s5  }
0xaa: {  	[dreg:$0x4] =	wrdreg $0xC0  }
0xab: {  	_ =	task [dreg:s7], $0x5FFFF  }
0xac: {  	[dreg:$0x1] =	wrdreg $0xFFFFFFFF  }
0xad: {  	[dreg:$0x0] =	wrdreg $0x60  }
0xae: {  	[dreg:$0x2] =	wrdreg s24  }
0xaf: {  	[dreg:$0x3] =	wrdreg s2  }
0xb0: {  	[dreg:$0x4] =	wrdreg $0x82000  }
0xb1: {  	[dreg:$0x5] =	wrdreg $0x9  }
0xb2: {  	_ =	task.clear_ibuf [dreg:s7], $0x6FFFF;
	_ =	strace $0x90000049  }
0xb3: {  	s29 =	simm.s32 $0x9;
	_ =	strace $0x8000004B  }
0xb4: {  	_ =	swait.ge [sflag:s29], $0x1  }
0xb5: {  	[sflag:s29] =	ssyncadd.s32 $0xFFFFFFFF  }
0xb6: {  	_ =	strace $0x9000004B  }
0xb7: {  	_ =	sfence  }
0xb8: {  	s30 =	sld [smem:$0x0];
	_ =	sdelay $0x2  }
0xb9: {  	s31 =	sshll.u32 s1, $0xD;
	s1 =	sshrl.u32 s1, $0x2  }
0xba: {  	s3 =	sand.u32 $0x4000, s31;
	s1 =	sadd.s32 s1, s30  }
0xbb: {  	s0 =	sor.u32 s3, s0;
	s1 =	sshll.u32 s1, $0x11  }
0xbc: {  	s0 =	sor.u32 s1, s0  }
0xbd: {  	s0 =	sadd.s32 $0x8F2B, s0  }
0xbe: {  	[sflag:s0] =	ssyncadd.remote.s32 $0x1  }
0xbf: {  	_ =	sfence.sel $0xFFFF  }
0xc0: {  	[dreg:$0x0] =	wrdreg $0xFFFFFFFF;
	(pc) =	sbr.abs _section_cstart, $3  }
0xc1: {  	[dreg:$0x1] =	wrdreg $0xFFFFFFFF  }
0xc2: {  	_ =	task.clear_ibuf [dreg:s7], $0x2FFFF;
	_ =	strace $0x9FFFFFFF  }
0xc3: {  	(tm) =	ssettm $0x7FFFFFFF  }
tec
execute0_lowered:
.L_overlay_start_1:
0x0: {  	(tag) =	ssettag $0x1  }
0x1: {  	s0 =	rddreg [dreg:$0x0]  }
0x2: {  	s2 =	rddreg [dreg:$0x1]  }
0x3: {  	s1 =	rddreg [dreg:$0x2]  }
0x4: {  	s3 =	srdreg.scid;
	s17 =	stileid.u32  }
0x5: {  	s12 =	stileid.u32;
	s7 =	smul.u32 $0x14000, s17  }
0x6: {  	s28 =	simm.s32 $0x1;
	s29 =	simm.s32 $0x3;
	s9 =	smul.u32 $0x50000, s17  }
0x7: {  	s30 =	simm.s32 $0x2;
	s31 =	simm.s32 $0x4;
	s11 =	smul.u32 $0x4F00, s17  }
0x8: {  	s6 =	sand.u32 $0x1, s3;
	s3 =	simm.s32 $0x0;
	s26 =	smul.u32 $0x9E0, s17  }
0x9: {  	s4 =	sadd.s32 $0xC000, s0;
	s8 =	sadd.s32 $0x2200, s0;
	s5 =	smul.u32 $0x140000, s6  }
0xa: {  	[smem:$0x7FF] =	sst s3;
	s15 =	ssub.s32 $0x2, s6;
	p0 =	seq.s32 s6, $0x1  }
0xb: {  	_ =	strace $0x8000004A;
	s10 =	sshrl.u32 s15, $0x1;
	s16 =	sshrl.u32 s9, $0x2  }
0xc: {  	s18 =	sshrl.u32 s11, $0x3;
	s5 =	sadd.s32 s7, s5;
	s7 =	ssub.s32 s15, s10  }
0xd: {  	s19 =	sadd.s32 s8, s18;
	s20 =	sadd.s32 s2, s18;
	s21 =	sor.u32 $0x10, s18  }
0xe: {  	s23 =	sadd.s32 $0x840, s18;
	s6 =	sadd.s32 $0x850, s18;
	[dreg:$0x4] =	wrdreg s19  }
0xf: {  	s5 =	sshrl.u32 s5, $0x3;
	[dreg:$0x5] =	wrdreg s20;
	s22 =	sadd.s32 s8, s21  }
0x10: {  	s9 =	sadd.s32 s2, s21;
	s24 =	sadd.s32 s8, s23;
	s25 =	sadd.s32 s8, s6  }
0x11: {  	s13 =	sadd.s32 s2, s6;
	s15 =	smax.u32 s7, $0x1;
	s20 =	sadd.s32 s26, s2  }
0x12: {  	s21 =	sadd.s32 s26, s8;
	s26 =	simm.s32 $0x180;
	s6 =	simm.s32 $0x5  }
0x13: {  	s7 =	simm.s32 $0x6;
	s8 =	simm.s32 $0x0;
	[dreg:$0x6] =	wrdreg s22  }
0x14: {  	s0 =	sadd.s32 s5, s0;
	s5 =	sadd.s32 s16, s1;
	[dreg:$0x7] =	wrdreg s9  }
.Ltmp0:
0x15: {  	[dreg:$0x8] =	wrdreg s24;
	s9 =	sadd.s32 s2, s23;
	(pc) =	sbr.rel .LBB2_1-.Ltmp0, $4  }
0x16: {  	[dreg:$0xa] =	wrdreg s25;
	s22 =	simm.s32 $0x200;
	s23 =	simm.s32 $0x7  }
0x17: {  	s24 =	simm.s32 $0x100;
	s25 =	simm.s32 $0x80;
	[dreg:$0x9] =	wrdreg s9  }
0x18: {  	s14 =	sadd.s32 $0x34000, s0;
	s16 =	sadd.s32 $0x4000, s5;
	s17 =	sadd.s32 $0x8000, s5  }
0x19: {  	v0 =	vimm.f32 $0.0e+00;
	s18 =	sadd.s32 $0xC000, s5;
	s19 =	sadd.s32 $0x10000, s5;
	s0 =	simm.s32 $0x4200  }
.LBB2_10:
0x1a: {  	[spmem:s1] =	stream.indirect.scatter.add.f32 [tilespmem:s22], [sflag:$0x7], $0x80, s24, s25, $0xb8;
	[tilespmem:$0x1C200] =	vst v63  }
0x1b: {  	_ =	swait.ge [sflag:s23], $0x4000  }
0x1c: {  	[sflag:s23] =	ssyncset.done $0x0  }
0x1d: {  	[sflag:s23] =	ssyncadd.s32 $0xFFFFC000  }
0x1e: {  	_ =	swait.ge [sflag:s7], $0x4000  }
0x1f: {  	[sflag:s7] =	ssyncset.done $0x0  }
0x20: {  	[sflag:s7] =	ssyncadd.s32 $0xFFFFC000  }
0x21: {  	[spmem:s1] =	stream.indirect.scatter.add.f32 [tilespmem:s0], [sflag:$0x7], $0x80, s26, s25, $0xb8;
	[tilespmem:$0x1C200] =	vst v63  }
0x22: {  	_ =	swait.ge [sflag:s23], $0x4000  }
0x23: {  	s2 =	sshll.u32 s12, $0x6;
	s8 =	sadd.s32 $0x1, s8;
	[sflag:s23] =	ssyncset.done $0x0  }
0x24: {  	s9 =	sshrl.u32 s5, $0x3;
	p1 =	sne.s32 s8, s15;
	[sflag:s23] =	ssyncadd.s32 $0xFFFFC000  }
.Ltmp1:
0x25: {  	s2 =	sor.u32 $0x1C07, s2;
	[bflag:$0x0] =	sbarrier.arrive $0xFFFF;
	(pc) =	sbr.rel @!p1 .LBB2_11-.Ltmp1, $4  }
0x26: {  	[hbm:s14], [sflag:s2] =	dma.local [spmem:s9], $0x2800  }
0x27: {  	_ =	swait.ge [sflag:s23], $0x2800  }
0x28: {  	[sflag:s23] =	ssyncset.done $0x0  }
0x29: {  	[sflag:s23] =	ssyncadd.s32 $0xFFFFD800  }
.LBB2_1:
0x2a: {  	s9 =	simm.s32 $0x0;
	s2 =	simm.s32 $0x200  }
.LBB2_2:
0x2b: {  	p1 =	sne.s32 s2, $0xFE00;
	[tilespmem:s9+$0x270] =	vst v0  }
0x2c: {  	[tilespmem:s9+$0x200] =	vst v0  }
0x2d: {  	[tilespmem:s9+$0x210] =	vst v0  }
.Ltmp2:
0x2e: {  	[tilespmem:s9+$0x220] =	vst v0;
	(pc) =	sbr.rel @p1 .LBB2_2-.Ltmp2, $4  }
0x2f: {  	[tilespmem:s9+$0x230] =	vst v0  }
0x30: {  	[tilespmem:s9+$0x240] =	vst v0  }
0x31: {  	[tilespmem:s9+$0x250] =	vst v0  }
0x32: {  	[tilespmem:s9+$0x260] =	vst v0;
	s9 =	sshra.s32 s2, $0x2;
	s2 =	sadd.s32 $0x200, s2  }
0x33: {  	[tilespmem:s9+$0x270] =	vst v0  }
0x34: {  	[tilespmem:s9+$0x200] =	vst v0  }
0x35: {  	[tilespmem:s9+$0x210] =	vst v0  }
0x36: {  	[tilespmem:s9+$0x220] =	vst v0  }
0x37: {  	[tilespmem:s9+$0x230] =	vst v0  }
0x38: {  	[tilespmem:s9+$0x240] =	vst v0  }
0x39: {  	[tilespmem:s9+$0x250] =	vst v0  }
0x3a: {  	[tilespmem:s9+$0x260] =	vst v0  }
0x3b: {  	[spmem:s5] =	stream.linear.scatter [tilespmem:s22], [sflag:$0x7], $0x4000, $0x38;
	[tilespmem:$0x1C200] =	vst v63  }
0x3c: {  	_ =	swait.ge [sflag:s23], $0x4000  }
0x3d: {  	[sflag:s23] =	ssyncset.done $0x0  }
0x3e: {  	[sflag:s23] =	ssyncadd.s32 $0xFFFFC000  }
0x3f: {  	[spmem:s16] =	stream.linear.scatter [tilespmem:s22], [sflag:$0x7], $0x4000, $0x38;
	[tilespmem:$0x1C200] =	vst v63  }
0x40: {  	_ =	swait.ge [sflag:s23], $0x4000  }
0x41: {  	[sflag:s23] =	ssyncset.done $0x0  }
0x42: {  	[sflag:s23] =	ssyncadd.s32 $0xFFFFC000  }
0x43: {  	[spmem:s17] =	stream.linear.scatter [tilespmem:s22], [sflag:$0x7], $0x4000, $0x38;
	[tilespmem:$0x1C200] =	vst v63  }
0x44: {  	_ =	swait.ge [sflag:s23], $0x4000  }
0x45: {  	[sflag:s23] =	ssyncset.done $0x0  }
0x46: {  	[sflag:s23] =	ssyncadd.s32 $0xFFFFC000  }
0x47: {  	[spmem:s18] =	stream.linear.scatter [tilespmem:s22], [sflag:$0x7], $0x4000, $0x38;
	[tilespmem:$0x1C200] =	vst v63  }
0x48: {  	_ =	swait.ge [sflag:s23], $0x4000  }
0x49: {  	[sflag:s23] =	ssyncset.done $0x0  }
0x4a: {  	[sflag:s23] =	ssyncadd.s32 $0xFFFFC000  }
0x4b: {  	[spmem:s19] =	stream.linear.scatter [tilespmem:s22], [sflag:$0x7], $0x4000, $0x38;
	[tilespmem:$0x1C200] =	vst v63  }
.Ltmp3:
0x4c: {  	_ =	swait.ge [sflag:s23], $0x4000;
	(pc) =	sbr.rel @!p0 .LBB2_4-.Ltmp3, $3  }
0x4d: {  	[sflag:s23] =	ssyncset.done $0x0  }
0x4e: {  	[sflag:s23] =	ssyncadd.s32 $0xFFFFC000  }
0x4f: {  	[bflag:$0x0] =	sbarrier.arrive $0xFFFF;
	_ =	sdelay $0x1  }
0x50: {  	s2 =	rddreg [dreg:$0x8]  }
0x51: {  	[tilespmem:s3], [sflag:$0x1] =	stream.linear.gather [hbm4b:s2+s3], $0x80, $0x38;
	[tilespmem:$0x1C200] =	vst v63  }
0x52: {  	s10 =	rddreg [dreg:$0x9]  }
0x53: {  	[tilespmem:s24], [sflag:$0x3] =	stream.linear.gather [hbm4b:s10+s3], $0x80, $0x38;
	[tilespmem:$0x1C200] =	vst v63  }
0x54: {  	s11 =	rddreg [dreg:$0xa]  }
0x55: {  	[tilespmem:s25], [sflag:$0x2] =	stream.linear.gather [hbm4b:s11+s3], $0x80, $0x38;
	[tilespmem:$0x1C200] =	vst v63  }
0x56: {  	s9 =	simm.s32 $0xFFFFFE80  }
0x57: {  	[tilespmem:s26], [sflag:$0x4] =	stream.linear.gather [hbm4b:s13+s3], $0x80, $0x38;
	[tilespmem:$0x1C200] =	vst v63  }
.LBB2_8:
0x58: {  	_ =	swait.ge [sflag:s28], $0x80  }
0x59: {  	[sflag:s28] =	ssyncset.done $0x0  }
0x5a: {  	[sflag:s28] =	ssyncadd.s32 $0xFFFFFF80  }
0x5b: {  	_ =	swait.ge [sflag:s29], $0x80  }
0x5c: {  	[sflag:s29] =	ssyncset.done $0x0  }
0x5d: {  	[sflag:s29] =	ssyncadd.s32 $0xFFFFFF80  }
0x5e: {  	[tilespmem:s22], [sflag:$0x5] =	stream.indirect.gather [hbm4b:s4+s25], $0x80, s3, s25, $0xb8;
	[tilespmem:$0x1C200] =	vst v63  }
0x5f: {  	_ =	swait.ge [sflag:s30], $0x80  }
0x60: {  	[sflag:s30] =	ssyncset.done $0x0  }
0x61: {  	[sflag:s30] =	ssyncadd.s32 $0xFFFFFF80  }
0x62: {  	_ =	swait.ge [sflag:s31], $0x80  }
0x63: {  	p1 =	seq.s32 s9, $0x0;
	[sflag:s31] =	ssyncset.done $0x0  }
.Ltmp4:
0x64: {  	[sflag:s31] =	ssyncadd.s32 $0xFFFFFF80;
	(pc) =	sbr.rel @p1 .LBB2_10-.Ltmp4, $4  }
0x65: {  	[tilespmem:s0], [sflag:$0x6] =	stream.indirect.gather [hbm4b:s4+s25], $0x80, s25, s25, $0xb8;
	[tilespmem:$0x1C200] =	vst v63  }
0x66: {  	_ =	swait.ge [sflag:s6], $0x4000  }
0x67: {  	[sflag:s6] =	ssyncset.done $0x0  }
0x68: {  	[sflag:s6] =	ssyncadd.s32 $0xFFFFC000  }
0x69: {  	s2 =	sadd.s32 s9, s21  }
0x6a: {  	s10 =	sadd.s32 $0x9E0, s2  }
0x6b: {  	[tilespmem:s3], [sflag:$0x1] =	stream.linear.gather [hbm4b:s10+s3], $0x80, $0x38;
	[tilespmem:$0x1C200] =	vst v63  }
0x6c: {  	_ = 	snop  }
0x6d: {  	[spmem:s1] =	stream.indirect.scatter.add.f32 [tilespmem:s22], [sflag:$0x7], $0x80, s24, s25, $0xb8;
	[tilespmem:$0x1C200] =	vst v63  }
0x6e: {  	_ =	swait.ge [sflag:s23], $0x4000  }
0x6f: {  	s10 =	sadd.s32 s9, s20;
	[sflag:s23] =	ssyncset.done $0x0  }
0x70: {  	s11 =	sadd.s32 $0x9E0, s10;
	[sflag:s23] =	ssyncadd.s32 $0xFFFFC000  }
0x71: {  	[tilespmem:s24], [sflag:$0x3] =	stream.linear.gather [hbm4b:s11+s3], $0x80, $0x38;
	[tilespmem:$0x1C200] =	vst v63  }
0x72: {  	_ =	swait.ge [sflag:s7], $0x4000  }
0x73: {  	[sflag:s7] =	ssyncset.done $0x0  }
0x74: {  	s2 =	sadd.s32 $0x9F0, s2;
	[sflag:s7] =	ssyncadd.s32 $0xFFFFC000  }
0x75: {  	[tilespmem:s25], [sflag:$0x2] =	stream.linear.gather [hbm4b:s2+s3], $0x80, $0x38;
	[tilespmem:$0x1C200] =	vst v63  }
0x76: {  	_ = 	snop  }
0x77: {  	[spmem:s1] =	stream.indirect.scatter.add.f32 [tilespmem:s0], [sflag:$0x7], $0x80, s26, s25, $0xb8;
	[tilespmem:$0x1C200] =	vst v63  }
.Ltmp5:
0x78: {  	_ = 	snop;
	(pc) =	sbr.rel .LBB2_8-.Ltmp5, $4  }
0x79: {  	_ =	swait.ge [sflag:s23], $0x4000  }
0x7a: {  	[sflag:s23] =	ssyncset.done $0x0  }
0x7b: {  	s9 =	sadd.s32 $0x20, s9;
	s11 =	sadd.s32 $0x9F0, s10;
	[sflag:s23] =	ssyncadd.s32 $0xFFFFC000  }
0x7c: {  	[tilespmem:s26], [sflag:$0x4] =	stream.linear.gather [hbm4b:s11+s3], $0x80, $0x38;
	[tilespmem:$0x1C200] =	vst v63  }
.LBB2_4:
0x7d: {  	s2 =	rddreg [dreg:$0x4]  }
0x7e: {  	[tilespmem:s3], [sflag:$0x1] =	stream.linear.gather [hbm4b:s2+s3], $0x80, $0x38;
	[tilespmem:$0x1C200] =	vst v63  }
0x7f: {  	s9 =	rddreg [dreg:$0x5]  }
0x80: {  	[tilespmem:s24], [sflag:$0x3] =	stream.linear.gather [hbm4b:s9+s3], $0x80, $0x38;
	[tilespmem:$0x1C200] =	vst v63  }
0x81: {  	s10 =	rddreg [dreg:$0x6]  }
0x82: {  	[tilespmem:s25], [sflag:$0x2] =	stream.linear.gather [hbm4b:s10+s3], $0x80, $0x38;
	[tilespmem:$0x1C200] =	vst v63  }
0x83: {  	s11 =	rddreg [dreg:$0x7];
	s9 =	simm.s32 $0xFFFFF7E0  }
0x84: {  	[tilespmem:s26], [sflag:$0x4] =	stream.linear.gather [hbm4b:s11+s3], $0x80, $0x38;
	[tilespmem:$0x1C200] =	vst v63  }
.LBB2_5:
0x85: {  	_ =	swait.ge [sflag:s28], $0x80  }
0x86: {  	[sflag:s28] =	ssyncset.done $0x0  }
0x87: {  	[sflag:s28] =	ssyncadd.s32 $0xFFFFFF80  }
0x88: {  	_ =	swait.ge [sflag:s29], $0x80  }
0x89: {  	[sflag:s29] =	ssyncset.done $0x0  }
0x8a: {  	[sflag:s29] =	ssyncadd.s32 $0xFFFFFF80  }
0x8b: {  	[tilespmem:s22], [sflag:$0x5] =	stream.indirect.gather [hbm4b:s4+s25], $0x80, s3, s25, $0xb8;
	[tilespmem:$0x1C200] =	vst v63  }
0x8c: {  	_ =	swait.ge [sflag:s30], $0x80  }
0x8d: {  	[sflag:s30] =	ssyncset.done $0x0  }
0x8e: {  	[sflag:s30] =	ssyncadd.s32 $0xFFFFFF80  }
0x8f: {  	_ =	swait.ge [sflag:s31], $0x80  }
0x90: {  	p1 =	seq.s32 s9, $0x0;
	[sflag:s31] =	ssyncset.done $0x0  }
.Ltmp6:
0x91: {  	[sflag:s31] =	ssyncadd.s32 $0xFFFFFF80;
	(pc) =	sbr.rel @p1 .LBB2_10-.Ltmp6, $4  }
0x92: {  	[tilespmem:s0], [sflag:$0x6] =	stream.indirect.gather [hbm4b:s4+s25], $0x80, s25, s25, $0xb8;
	[tilespmem:$0x1C200] =	vst v63  }
0x93: {  	_ =	swait.ge [sflag:s6], $0x4000  }
0x94: {  	[sflag:s6] =	ssyncset.done $0x0  }
0x95: {  	[sflag:s6] =	ssyncadd.s32 $0xFFFFC000  }
0x96: {  	s2 =	sadd.s32 s9, s21  }
0x97: {  	s10 =	sadd.s32 $0x840, s2  }
0x98: {  	[tilespmem:s3], [sflag:$0x1] =	stream.linear.gather [hbm4b:s10+s3], $0x80, $0x38;
	[tilespmem:$0x1C200] =	vst v63  }
0x99: {  	_ = 	snop  }
0x9a: {  	[spmem:s1] =	stream.indirect.scatter.add.f32 [tilespmem:s22], [sflag:$0x7], $0x80, s24, s25, $0xb8;
	[tilespmem:$0x1C200] =	vst v63  }
0x9b: {  	_ =	swait.ge [sflag:s23], $0x4000  }
0x9c: {  	s10 =	sadd.s32 s9, s20;
	[sflag:s23] =	ssyncset.done $0x0  }
0x9d: {  	s11 =	sadd.s32 $0x840, s10;
	[sflag:s23] =	ssyncadd.s32 $0xFFFFC000  }
0x9e: {  	[tilespmem:s24], [sflag:$0x3] =	stream.linear.gather [hbm4b:s11+s3], $0x80, $0x38;
	[tilespmem:$0x1C200] =	vst v63  }
0x9f: {  	_ =	swait.ge [sflag:s7], $0x4000  }
0xa0: {  	[sflag:s7] =	ssyncset.done $0x0  }
0xa1: {  	s2 =	sadd.s32 $0x850, s2;
	[sflag:s7] =	ssyncadd.s32 $0xFFFFC000  }
0xa2: {  	[tilespmem:s25], [sflag:$0x2] =	stream.linear.gather [hbm4b:s2+s3], $0x80, $0x38;
	[tilespmem:$0x1C200] =	vst v63  }
0xa3: {  	_ = 	snop  }
0xa4: {  	[spmem:s1] =	stream.indirect.scatter.add.f32 [tilespmem:s0], [sflag:$0x7], $0x80, s26, s25, $0xb8;
	[tilespmem:$0x1C200] =	vst v63  }
.Ltmp7:
0xa5: {  	_ = 	snop;
	(pc) =	sbr.rel .LBB2_5-.Ltmp7, $4  }
0xa6: {  	_ =	swait.ge [sflag:s23], $0x4000  }
0xa7: {  	[sflag:s23] =	ssyncset.done $0x0  }
0xa8: {  	s9 =	sadd.s32 $0x20, s9;
	s11 =	sadd.s32 $0x850, s10;
	[sflag:s23] =	ssyncadd.s32 $0xFFFFC000  }
0xa9: {  	[tilespmem:s26], [sflag:$0x4] =	stream.linear.gather [hbm4b:s11+s3], $0x80, $0x38;
	[tilespmem:$0x1C200] =	vst v63  }
.LBB2_11:
0xaa: {  	_ =	sfence.sel $0x180000  }
0xab: {  	[bflag:$0x0] =	sbarrier.arrive $0xFFFF  }
0xac: {  	_ =	strace $0x9000004A  }
0xad: {  	[bflag:$0x2] =	sbarrier.arrive $0xFFFF  }
0xae: {  	p0 =	sne.s32 s12, $0x0;
	s0 =	rddreg [dreg:$0x3]  }
0xaf: {  	s0 =	sadd.s32 @!p0 $0x100000, s0  }
0xb0: {  	[sflag:s0] =	ssyncadd.tile.s32 @!p0 $0x1;
	_ =	shalt  }
.Lfunc_end2:
_tile_overlayer_lowered:
.L_overlay_start_2:
0xb1: {  	(tag) =	ssettag $0x2  }
0xb2: {  	s0 =	rddreg [dreg:$0x0];
	s2 =	stileid.u32  }
0xb3: {  	s1 =	rddreg [dreg:$0x1];
	p0 =	sne.s32 s2, $0x0  }
0xb4: {  	s3 =	rddreg [dreg:$0x2];
	[bflag:$0x3] =	sbarrier.arrive $0xFFFF;
	s2 =	simm.s32 @!p0 $0x1C07  }
0xb5: {  	[timem:s3], [sflag:s2] =	dma.local @!p0 [hbm:s0], s1  }
0xb6: {  	s0 =	simm.s32 @!p0 $0x7  }
0xb7: {  	_ =	swait.ge @!p0 [sflag:s0], s1  }
0xb8: {  	s1 =	ssub.s32 @!p0 $0x0, s1;
	[sflag:s0] =	ssyncset.done @!p0 $0x0  }
0xb9: {  	[sflag:s0] =	ssyncadd.s32 @!p0 s1  }
0xba: {  	[bflag:$0x3] =	sbarrier.arrive $0xFFFF  }
0xbb: {  	_ =	shalt  }

</sc_bundles>
